<compile_context>
chip_gen: v7x
topology: tpu7x:2x2x1
jax: 0.10.2.dev20260603
libtpu: 0.0.44.dev20260713+nightly
codegen_flags: <defaults>
</compile_context>

<pallas_src>
import dataclasses
import functools

import jax
import jax.numpy as jnp
from jax.experimental import pallas as pl
from jax.experimental.pallas import tpu as pltpu
from jax.experimental.pallas import tpu_sc as plsc

ROWS, COLS = 8192, 4096
LANES = 16
R_BLK = 4
VPR = COLS // LANES
UNROLL = 4


def _scan_block(in_vmem, out_vmem):

    zero = jnp.float32(0.0)

    @plsc.parallel_loop(0, VPR, 1, unroll=UNROLL, carry=(zero,) * R_BLK)
    def _(j, carries):
        carries = list(carries)
        off = j * LANES
        for r in range(R_BLK):
            v = in_vmem[r, pl.ds(off, LANES)]
            s = jnp.cumsum(v) + carries[r]
            out_vmem[r, pl.ds(off, LANES)] = s
            carries[r] = s[LANES - 1]
        return tuple(carries)


def kernel(x):
    mesh = plsc.VectorSubcoreMesh(core_axis_name="core", subcore_axis_name="subcore")
    cp = pltpu.CompilerParams()
    if "needs_layout_passes" in pltpu.CompilerParams.__dataclass_fields__:
        cp = dataclasses.replace(cp, needs_layout_passes=False)

    @functools.partial(
        pl.kernel,
        out_type=jax.ShapeDtypeStruct((ROWS, COLS), jnp.float32),
        mesh=mesh,
        compiler_params=cp,
    )
    def run(x_hbm, o_hbm):
        def body(in_vmem, out_vmem):
            _scan_block(in_vmem, out_vmem)

        pltpu.emit_pipeline(
            body,
            grid=(ROWS // R_BLK,),
            in_specs=[pl.BlockSpec((R_BLK, COLS), lambda i: (i, 0))],
            out_specs=[pl.BlockSpec((R_BLK, COLS), lambda i: (i, 0))],
            core_axis_name=("core", "subcore"),
            dimension_semantics=(pltpu.PARALLEL,),
        )(x_hbm, o_hbm)

    return run(x)

# --- scband reference (transcript-rebuilt; emitter-appended) ---
"""Pipeline reference for scband-model-new-23656679867335 (READ-ONLY COPY).

The authoritative reference and input builder live on the scoring server;
editing this copy changes nothing except your own understanding.
"""

import jax, jax.numpy as jnp
import numpy as np


def setup_inputs(seed: int = 0) -> dict:
    key = jax.random.key(seed)
    x = jax.random.normal(key, (8192, 4096), dtype=jnp.float32)
    return {"x": x}


def reference(x):
    # Row-wise cumulative sum along dim=1, matching the CUDA prefix-scan kernel.
    return jnp.cumsum(x, axis=1)

if __name__ == "__main__":
    import jax
    _d = setup_inputs()
    print(jax.jit(kernel)(*tuple(_d.values())))

</pallas_src>

<mosaic_0001>
#map = affine_map<(d0, d1) -> (0, 0)>
module attributes {stable_mosaic.version = 14 : i64} {
  func.func @run(%arg0: i32, %arg1: i32, %arg2: memref<8192x4096xf32, #tpu.memory_space<hbm>>, %arg3: memref<8192x4096xf32, #tpu.memory_space<hbm>>) attributes {dimension_semantics = [#tpu.dimension_semantics<core_parallel>, #tpu.dimension_semantics<subcore_parallel>], iteration_bounds = array<i64: 2, 16>, scalar_prefetch = 0 : i64, scratch_operands = 0 : i64, tpu.core_type = #tpu.core_type<sc_vector_subcore>, window_params = [{transform_indices = #map}, {transform_indices = #map}]} {
    %mul3A = arith.constant 1 : i32
    %mul3A_0 = arith.muli %arg1, %mul3A : i32
    %add3A = arith.constant 0 : i32
    %add3A_1 = arith.addi %add3A, %mul3A_0 : i32
    %mul3A_2 = arith.constant 16 : i32
    %mul3A_3 = arith.muli %arg0, %mul3A_2 : i32
    %add3A_4 = arith.addi %add3A_1, %mul3A_3 : i32
    %mul3A_5 = arith.constant 64 : i32
    %mul3A_6 = arith.muli %add3A_4, %mul3A_5 : i32
    "tpu.region"() ({
      %run_scoped3A = memref.alloca() : memref<2x4x4096xf32, #tpu.memory_space<vmem>>
      %run_scoped3A_7 = tpu.sem_alloc : memref<2x!tpu.dma_semaphore, #tpu.memory_space<semaphore_mem>>
      %run_scoped3A_8 = memref.alloca() : memref<2x4x4096xf32, #tpu.memory_space<vmem>>
      %run_scoped3A_9 = tpu.sem_alloc : memref<2x!tpu.dma_semaphore, #tpu.memory_space<semaphore_mem>>
      %add3A_10 = arith.constant 0 : i32
      %add3A_11 = arith.addi %add3A_10, %mul3A_6 : i32
      %select_n3A = arith.constant true
      %select_n3A_12 = arith.constant 0 : i32
      %select_n3A_13 = arith.constant -1 : i32
      %select_n3A_14 = arith.select %select_n3A, %select_n3A_13, %select_n3A_12 : i32
      %eq3A = arith.constant -1 : i32
      %eq3A_15 = arith.cmpi eq, %select_n3A_14, %eq3A : i32
      %select_n3A_16 = arith.constant 63 : i32
      %select_n3A_17 = arith.select %eq3A_15, %select_n3A_16, %select_n3A_14 : i32
      %add3A_18 = arith.addi %select_n3A_17, %mul3A_6 : i32
      %select_n3A_19 = arith.constant true
      %select_n3A_20 = arith.constant 0 : i32
      %select_n3A_21 = arith.constant 1 : i32
      %select_n3A_22 = arith.select %select_n3A_19, %select_n3A_21, %select_n3A_20 : i32
      %eq3A_23 = arith.constant 64 : i32
      %eq3A_24 = arith.cmpi eq, %select_n3A_22, %eq3A_23 : i32
      %select_n3A_25 = arith.constant 0 : i32
      %select_n3A_26 = arith.select %eq3A_24, %select_n3A_25, %select_n3A_22 : i32
      %add3A_27 = arith.addi %select_n3A_26, %mul3A_6 : i32
      %add3A_28 = arith.constant 1 : i32
      %add3A_29 = arith.addi %select_n3A_26, %add3A_28 : i32
      %select_n3A_30 = arith.constant true
      %select_n3A_31 = arith.select %select_n3A_30, %add3A_29, %select_n3A_26 : i32
      %eq3A_32 = arith.constant 64 : i32
      %eq3A_33 = arith.cmpi eq, %select_n3A_31, %eq3A_32 : i32
      %select_n3A_34 = arith.constant 0 : i32
      %select_n3A_35 = arith.select %eq3A_33, %select_n3A_34, %select_n3A_31 : i32
      %add3A_36 = arith.addi %select_n3A_35, %mul3A_6 : i32
      "tpu.trace_start"() <{level = 10 : i32, message = "ep_initialize_0"}> : () -> ()
      %rem3A = arith.constant 0 : i32
      %rem3A_37 = arith.constant 2 : i32
      %rem3A_38 = arith.remui %rem3A, %rem3A_37 : i32
      %mul3A_39 = arith.constant 4 : i32
      %mul3A_40 = arith.muli %mul3A_39, %add3A_11 : i32
      %dma_start3A = arith.constant 0 : i32
      %dma_start3A_41 = arith.constant 0 : i32
      %dma_start3A_42 = tpu.memref_slice %run_scoped3A[%rem3A_38, %dma_start3A, %dma_start3A_41] : memref<2x4x4096xf32, #tpu.memory_space<vmem>> -> memref<1x4x4096xf32, #tpu.memory_space<vmem>>
      %dma_start3A_43 = tpu.memref_squeeze %dma_start3A_42 : memref<1x4x4096xf32, #tpu.memory_space<vmem>> -> memref<4x4096xf32, #tpu.memory_space<vmem>>
      %dma_start3A_44 = arith.constant 0 : i32
      %dma_start3A_45 = tpu.memref_slice %arg2[%mul3A_40, %dma_start3A_44] : memref<8192x4096xf32, #tpu.memory_space<hbm>> -> memref<4x4096xf32, #tpu.memory_space<hbm>>
      %dma_start3A_46 = tpu.memref_slice %run_scoped3A_7[%rem3A_38] : memref<2x!tpu.dma_semaphore, #tpu.memory_space<semaphore_mem>> -> memref<1x!tpu.dma_semaphore, #tpu.memory_space<semaphore_mem>>
      %dma_start3A_47 = tpu.memref_squeeze %dma_start3A_46 : memref<1x!tpu.dma_semaphore, #tpu.memory_space<semaphore_mem>> -> memref<!tpu.dma_semaphore, #tpu.memory_space<semaphore_mem>>
      %dma_start3A_48 = arith.constant 0 : i32
      %dma_start3A_49 = arith.constant 0 : i32
      %dma_start3A_50 = tpu.memref_slice %run_scoped3A[%rem3A_38, %dma_start3A_48, %dma_start3A_49] : memref<2x4x4096xf32, #tpu.memory_space<vmem>> -> memref<1x4x4096xf32, #tpu.memory_space<vmem>>
      %dma_start3A_51 = tpu.memref_squeeze %dma_start3A_50 : memref<1x4x4096xf32, #tpu.memory_space<vmem>> -> memref<4x4096xf32, #tpu.memory_space<vmem>>
      %dma_start3A_52 = arith.constant 0 : i32
      %dma_start3A_53 = tpu.memref_slice %arg2[%mul3A_40, %dma_start3A_52] : memref<8192x4096xf32, #tpu.memory_space<hbm>> -> memref<4x4096xf32, #tpu.memory_space<hbm>>
      tpu.enqueue_dma source(%dma_start3A_53 : memref<4x4096xf32, #tpu.memory_space<hbm>>) target(%dma_start3A_51 : memref<4x4096xf32, #tpu.memory_space<vmem>>) target_semaphore(%dma_start3A_47 : memref<!tpu.dma_semaphore, #tpu.memory_space<semaphore_mem>>)
      %add3A_54 = arith.constant 0 : i32
      %add3A_55 = arith.constant 1 : i32
      %add3A_56 = arith.addi %add3A_54, %add3A_55 : i32
      %select_n3A_57 = arith.constant true
      %select_n3A_58 = arith.constant 0 : i32
      %select_n3A_59 = arith.select %select_n3A_57, %add3A_56, %select_n3A_58 : i32
      "tpu.trace_stop"() : () -> ()
      %scan3A = arith.constant 0 : i32
      %scan3A_60 = arith.constant 0 : i32
      %scan3A_61 = arith.constant 0 : i32
      %scan3A_62 = arith.constant 0 : i32
      %scan3A_63 = arith.constant 0 : i32
      %scan3A_64 = arith.constant 64 : i32
      %scan3A_65 = arith.addi %scan3A_63, %scan3A_64 : i32
      %scan3A_66 = arith.constant 1 : i32
      %scan3A_67:5 = scf.for %scan3A_121 = %scan3A_63 to %scan3A_65 step %scan3A_66 iter_args(%scan3A_122 = %select_n3A_59, %scan3A_123 = %scan3A, %scan3A_124 = %scan3A_60, %scan3A_125 = %scan3A_61, %scan3A_126 = %scan3A_62) -> (i32, i32, i32, i32, i32)  : i32 {
        %eq3A_127 = arith.constant 0 : i32
        %eq3A_128 = arith.cmpi eq, %scan3A_121, %eq3A_127 : i32
        %eq3A_129 = arith.constant 63 : i32
        %eq3A_130 = arith.cmpi eq, %scan3A_121, %eq3A_129 : i32
        %add3A_131 = arith.addi %scan3A_126, %mul3A_6 : i32
        %sub3A_132 = arith.constant 1 : i32
        %sub3A_133 = arith.subi %scan3A_126, %sub3A_132 : i32
        %select_n3A_134 = arith.constant true
        %select_n3A_135 = arith.select %select_n3A_134, %sub3A_133, %scan3A_126 : i32
        %eq3A_136 = arith.constant -1 : i32
        %eq3A_137 = arith.cmpi eq, %select_n3A_135, %eq3A_136 : i32
        %select_n3A_138 = arith.constant 63 : i32
        %select_n3A_139 = arith.select %eq3A_137, %select_n3A_138, %select_n3A_135 : i32
        %add3A_140 = arith.addi %select_n3A_139, %mul3A_6 : i32
        %add3A_141 = arith.constant 1 : i32
        %add3A_142 = arith.addi %scan3A_126, %add3A_141 : i32
        %select_n3A_143 = arith.constant true
        %select_n3A_144 = arith.select %select_n3A_143, %add3A_142, %scan3A_126 : i32
        %eq3A_145 = arith.constant 64 : i32
        %eq3A_146 = arith.cmpi eq, %select_n3A_144, %eq3A_145 : i32
        %select_n3A_147 = arith.constant 0 : i32
        %select_n3A_148 = arith.select %eq3A_146, %select_n3A_147, %select_n3A_144 : i32
        %add3A_149 = arith.addi %select_n3A_148, %mul3A_6 : i32
        %add3A_150 = arith.constant 1 : i32
        %add3A_151 = arith.addi %select_n3A_148, %add3A_150 : i32
        %select_n3A_152 = arith.constant true
        %select_n3A_153 = arith.select %select_n3A_152, %add3A_151, %select_n3A_148 : i32
        %eq3A_154 = arith.constant 64 : i32
        %eq3A_155 = arith.cmpi eq, %select_n3A_153, %eq3A_154 : i32
        %select_n3A_156 = arith.constant 0 : i32
        %select_n3A_157 = arith.select %eq3A_155, %select_n3A_156, %select_n3A_153 : i32
        %add3A_158 = arith.addi %select_n3A_157, %mul3A_6 : i32
        %ne3A = arith.cmpi ne, %add3A_131, %add3A_149 : i32
        %or3A = arith.constant false
        %or3A_159 = arith.ori %or3A, %ne3A : i1
        %or3A_160 = arith.constant false
        %or3A_161 = arith.ori %or3A_159, %or3A_160 : i1
        %ge3A = arith.constant 63 : i32
        %ge3A_162 = arith.cmpi sge, %scan3A_121, %ge3A : i32
        %not3A = arith.constant true
        %not3A_163 = arith.xori %ge3A_162, %not3A : i1
        %and3A = arith.andi %or3A_161, %not3A_163 : i1
        %convert_element_type3A = arith.extui %and3A : i1 to i32
        %cond3A = arith.constant 0 : i32
        %cond3A_164 = arith.cmpi ne, %convert_element_type3A, %cond3A : i32
        scf.if %cond3A_164 {
          "tpu.trace_start"() <{level = 10 : i32, message = "ep_copy_in"}> : () -> ()
          %rem3A_280 = arith.constant 2 : i32
          %rem3A_281 = arith.remui %scan3A_122, %rem3A_280 : i32
          %mul3A_282 = arith.constant 4 : i32
          %mul3A_283 = arith.muli %mul3A_282, %add3A_149 : i32
          %dma_start3A_284 = arith.constant 0 : i32
          %dma_start3A_285 = arith.constant 0 : i32
          %dma_start3A_286 = tpu.memref_slice %run_scoped3A[%rem3A_281, %dma_start3A_284, %dma_start3A_285] : memref<2x4x4096xf32, #tpu.memory_space<vmem>> -> memref<1x4x4096xf32, #tpu.memory_space<vmem>>
          %dma_start3A_287 = tpu.memref_squeeze %dma_start3A_286 : memref<1x4x4096xf32, #tpu.memory_space<vmem>> -> memref<4x4096xf32, #tpu.memory_space<vmem>>
          %dma_start3A_288 = arith.constant 0 : i32
          %dma_start3A_289 = tpu.memref_slice %arg2[%mul3A_283, %dma_start3A_288] : memref<8192x4096xf32, #tpu.memory_space<hbm>> -> memref<4x4096xf32, #tpu.memory_space<hbm>>
          %dma_start3A_290 = tpu.memref_slice %run_scoped3A_7[%rem3A_281] : memref<2x!tpu.dma_semaphore, #tpu.memory_space<semaphore_mem>> -> memref<1x!tpu.dma_semaphore, #tpu.memory_space<semaphore_mem>>
          %dma_start3A_291 = tpu.memref_squeeze %dma_start3A_290 : memref<1x!tpu.dma_semaphore, #tpu.memory_space<semaphore_mem>> -> memref<!tpu.dma_semaphore, #tpu.memory_space<semaphore_mem>>
          %dma_start3A_292 = arith.constant 0 : i32
          %dma_start3A_293 = arith.constant 0 : i32
          %dma_start3A_294 = tpu.memref_slice %run_scoped3A[%rem3A_281, %dma_start3A_292, %dma_start3A_293] : memref<2x4x4096xf32, #tpu.memory_space<vmem>> -> memref<1x4x4096xf32, #tpu.memory_space<vmem>>
          %dma_start3A_295 = tpu.memref_squeeze %dma_start3A_294 : memref<1x4x4096xf32, #tpu.memory_space<vmem>> -> memref<4x4096xf32, #tpu.memory_space<vmem>>
          %dma_start3A_296 = arith.constant 0 : i32
          %dma_start3A_297 = tpu.memref_slice %arg2[%mul3A_283, %dma_start3A_296] : memref<8192x4096xf32, #tpu.memory_space<hbm>> -> memref<4x4096xf32, #tpu.memory_space<hbm>>
          tpu.enqueue_dma source(%dma_start3A_297 : memref<4x4096xf32, #tpu.memory_space<hbm>>) target(%dma_start3A_295 : memref<4x4096xf32, #tpu.memory_space<vmem>>) target_semaphore(%dma_start3A_291 : memref<!tpu.dma_semaphore, #tpu.memory_space<semaphore_mem>>)
          "tpu.trace_stop"() : () -> ()
        } else {
        }
        %and3A_165 = arith.constant true
        %and3A_166 = arith.andi %and3A, %and3A_165 : i1
        %add3A_167 = arith.constant 1 : i32
        %add3A_168 = arith.addi %scan3A_122, %add3A_167 : i32
        %select_n3A_169 = arith.select %and3A_166, %add3A_168, %scan3A_122 : i32
        %ne3A_170 = arith.cmpi ne, %add3A_131, %add3A_149 : i32
        %or3A_171 = arith.constant false
        %or3A_172 = arith.ori %or3A_171, %ne3A_170 : i1
        %or3A_173 = arith.constant false
        %or3A_174 = arith.ori %or3A_172, %or3A_173 : i1
        %ge3A_175 = arith.constant 63 : i32
        %ge3A_176 = arith.cmpi sge, %scan3A_121, %ge3A_175 : i32
        %not3A_177 = arith.constant true
        %not3A_178 = arith.xori %ge3A_176, %not3A_177 : i1
        %and3A_179 = arith.andi %or3A_174, %not3A_178 : i1
        %ne3A_180 = arith.cmpi ne, %add3A_131, %add3A_140 : i32
        %or3A_181 = arith.constant false
        %or3A_182 = arith.ori %or3A_181, %ne3A_180 : i1
        %or3A_183 = arith.constant false
        %or3A_184 = arith.ori %or3A_182, %or3A_183 : i1
        %or3A_185 = arith.ori %or3A_184, %eq3A_128 : i1
        %convert_element_type3A_186 = arith.extui %or3A_185 : i1 to i32
        %cond3A_187 = arith.constant 0 : i32
        %cond3A_188 = arith.cmpi ne, %convert_element_type3A_186, %cond3A_187 : i32
        scf.if %cond3A_188 {
          "tpu.trace_start"() <{level = 10 : i32, message = "ep_wait_in"}> : () -> ()
          %mul3A_280 = arith.constant 4 : i32
          %mul3A_281 = arith.muli %mul3A_280, %add3A_131 : i32
          %rem3A_282 = arith.constant 2 : i32
          %rem3A_283 = arith.remui %scan3A_123, %rem3A_282 : i32
          %dma_wait3A_284 = arith.constant 0 : i32
          %dma_wait3A_285 = arith.constant 0 : i32
          %dma_wait3A_286 = tpu.memref_slice %run_scoped3A[%rem3A_283, %dma_wait3A_284, %dma_wait3A_285] : memref<2x4x4096xf32, #tpu.memory_space<vmem>> -> memref<1x4x4096xf32, #tpu.memory_space<vmem>>
          %dma_wait3A_287 = tpu.memref_squeeze %dma_wait3A_286 : memref<1x4x4096xf32, #tpu.memory_space<vmem>> -> memref<4x4096xf32, #tpu.memory_space<vmem>>
          %dma_wait3A_288 = arith.constant 0 : i32
          %dma_wait3A_289 = tpu.memref_slice %arg2[%mul3A_281, %dma_wait3A_288] : memref<8192x4096xf32, #tpu.memory_space<hbm>> -> memref<4x4096xf32, #tpu.memory_space<hbm>>
          %dma_wait3A_290 = tpu.memref_slice %run_scoped3A_7[%rem3A_283] : memref<2x!tpu.dma_semaphore, #tpu.memory_space<semaphore_mem>> -> memref<1x!tpu.dma_semaphore, #tpu.memory_space<semaphore_mem>>
          %dma_wait3A_291 = tpu.memref_squeeze %dma_wait3A_290 : memref<1x!tpu.dma_semaphore, #tpu.memory_space<semaphore_mem>> -> memref<!tpu.dma_semaphore, #tpu.memory_space<semaphore_mem>>
          %dma_wait3A_292 = arith.constant 0 : i32
          %dma_wait3A_293 = arith.constant 0 : i32
          %dma_wait3A_294 = tpu.memref_slice %run_scoped3A[%rem3A_283, %dma_wait3A_292, %dma_wait3A_293] : memref<2x4x4096xf32, #tpu.memory_space<vmem>> -> memref<1x4x4096xf32, #tpu.memory_space<vmem>>
          %dma_wait3A_295 = tpu.memref_squeeze %dma_wait3A_294 : memref<1x4x4096xf32, #tpu.memory_space<vmem>> -> memref<4x4096xf32, #tpu.memory_space<vmem>>
          %dma_wait3A_296 = arith.constant 0 : i32
          %dma_wait3A_297 = tpu.memref_slice %arg2[%mul3A_281, %dma_wait3A_296] : memref<8192x4096xf32, #tpu.memory_space<hbm>> -> memref<4x4096xf32, #tpu.memory_space<hbm>>
          tpu.wait_dma2 semaphore(%dma_wait3A_291 : memref<!tpu.dma_semaphore, #tpu.memory_space<semaphore_mem>>) src(%dma_wait3A_297 : memref<4x4096xf32, #tpu.memory_space<hbm>>) dst(%dma_wait3A_295 : memref<4x4096xf32, #tpu.memory_space<vmem>>)
          "tpu.trace_stop"() : () -> ()
        } else {
        }
        %ne3A_189 = arith.cmpi ne, %add3A_131, %add3A_140 : i32
        %or3A_190 = arith.constant false
        %or3A_191 = arith.ori %or3A_190, %ne3A_189 : i1
        %or3A_192 = arith.constant false
        %or3A_193 = arith.ori %or3A_191, %or3A_192 : i1
        %or3A_194 = arith.ori %or3A_193, %eq3A_128 : i1
        %convert_element_type3A_195 = arith.extui %or3A_194 : i1 to i32
        %cond3A_196 = arith.constant 0 : i32
        %cond3A_197 = arith.cmpi ne, %convert_element_type3A_195, %cond3A_196 : i32
        scf.if %cond3A_197 {
        } else {
        }
        %rem3A_198 = arith.constant 2 : i32
        %rem3A_199 = arith.remui %scan3A_123, %rem3A_198 : i32
        %rem3A_200 = arith.constant 2 : i32
        %rem3A_201 = arith.remui %scan3A_124, %rem3A_200 : i32
        %parallel_loop3A = arith.constant 0 : i32
        %parallel_loop3A_202 = arith.constant 256 : i32
        %parallel_loop3A_203 = arith.constant 1 : i32
        %parallel_loop3A_204 = arith.constant 0.000000e+00 : f32
        %parallel_loop3A_205 = arith.constant 0.000000e+00 : f32
        %parallel_loop3A_206 = arith.constant 0.000000e+00 : f32
        %parallel_loop3A_207 = arith.constant 0.000000e+00 : f32
        "tpu.trace_start"() <{level = 10 : i32, message = "ep_run_kernel"}> : () -> ()
        %parallel_loop3A_208:4 = scf.for %parallel_loop3A_280 = %parallel_loop3A to %parallel_loop3A_202 step %parallel_loop3A_203 iter_args(%parallel_loop3A_281 = %parallel_loop3A_204, %parallel_loop3A_282 = %parallel_loop3A_205, %parallel_loop3A_283 = %parallel_loop3A_206, %parallel_loop3A_284 = %parallel_loop3A_207) -> (f32, f32, f32, f32)  : i32 {
          %parallel_loop3A_285 = arith.constant 16 : i32
          %parallel_loop3A_286 = arith.muli %parallel_loop3A_280, %parallel_loop3A_285 : i32
          %parallel_loop3A_287 = arith.constant 0 : i32
          %parallel_loop3A_288 = arith.constant 0 : i32
          %parallel_loop3A_289 = arith.constant 0 : i32
          %parallel_loop3A_290 = tpu.memref_slice %run_scoped3A[%rem3A_199, %parallel_loop3A_288, %parallel_loop3A_289] : memref<2x4x4096xf32, #tpu.memory_space<vmem>> -> memref<1x4x4096xf32, #tpu.memory_space<vmem>>
          %parallel_loop3A_291 = tpu.memref_squeeze %parallel_loop3A_290 : memref<1x4x4096xf32, #tpu.memory_space<vmem>> -> memref<4x4096xf32, #tpu.memory_space<vmem>>
          %parallel_loop3A_292 = arith.index_cast %parallel_loop3A_287 : i32 to index
          %parallel_loop3A_293 = arith.index_cast %parallel_loop3A_286 : i32 to index
          %parallel_loop3A_294 = tpu.vector_load %parallel_loop3A_291[%parallel_loop3A_292, %parallel_loop3A_293] {strides = array<i32>} : memref<4x4096xf32, #tpu.memory_space<vmem>>, vector<16xf32>,
          %parallel_loop3A_295 = arith.constant true
          %parallel_loop3A_296 = vector.broadcast %parallel_loop3A_295 : i1 to vector<16xi1>
          %parallel_loop3A_297 = tpu.scan <sum>, %parallel_loop3A_294 masked %parallel_loop3A_296 : vector<16xf32>, vector<16xi1> -> vector<16xf32>
          %parallel_loop3A_298 = vector.broadcast %parallel_loop3A_281 : f32 to vector<16xf32>
          %parallel_loop3A_299 = arith.addf %parallel_loop3A_297, %parallel_loop3A_298 : vector<16xf32>
          %parallel_loop3A_300 = arith.constant 0 : i32
          %parallel_loop3A_301 = arith.constant 0 : i32
          %parallel_loop3A_302 = arith.constant 0 : i32
          %parallel_loop3A_303 = tpu.memref_slice %run_scoped3A_8[%rem3A_201, %parallel_loop3A_301, %parallel_loop3A_302] : memref<2x4x4096xf32, #tpu.memory_space<vmem>> -> memref<1x4x4096xf32, #tpu.memory_space<vmem>>
          %parallel_loop3A_304 = tpu.memref_squeeze %parallel_loop3A_303 : memref<1x4x4096xf32, #tpu.memory_space<vmem>> -> memref<4x4096xf32, #tpu.memory_space<vmem>>
          %parallel_loop3A_305 = arith.index_cast %parallel_loop3A_300 : i32 to index
          %parallel_loop3A_306 = arith.index_cast %parallel_loop3A_286 : i32 to index
          %parallel_loop3A_307 = tpu.vector_load %parallel_loop3A_304[%parallel_loop3A_305, %parallel_loop3A_306] {strides = array<i32>} : memref<4x4096xf32, #tpu.memory_space<vmem>>, vector<16xf32>,
          tpu.vector_store %parallel_loop3A_304[%parallel_loop3A_305, %parallel_loop3A_306], %parallel_loop3A_299 {strides = array<i32>} : memref<4x4096xf32, #tpu.memory_space<vmem>>, vector<16xf32>,
          %parallel_loop3A_308 = vector.extract_strided_slice %parallel_loop3A_299 {offsets = [15], sizes = [1], strides = [1]} : vector<16xf32> to vector<1xf32>
          %parallel_loop3A_309 = vector.extract %parallel_loop3A_308[0] : f32 from vector<1xf32>
          %parallel_loop3A_310 = arith.constant 1 : i32
          %parallel_loop3A_311 = arith.constant 0 : i32
          %parallel_loop3A_312 = arith.constant 0 : i32
          %parallel_loop3A_313 = tpu.memref_slice %run_scoped3A[%rem3A_199, %parallel_loop3A_311, %parallel_loop3A_312] : memref<2x4x4096xf32, #tpu.memory_space<vmem>> -> memref<1x4x4096xf32, #tpu.memory_space<vmem>>
          %parallel_loop3A_314 = tpu.memref_squeeze %parallel_loop3A_313 : memref<1x4x4096xf32, #tpu.memory_space<vmem>> -> memref<4x4096xf32, #tpu.memory_space<vmem>>
          %parallel_loop3A_315 = arith.index_cast %parallel_loop3A_310 : i32 to index
          %parallel_loop3A_316 = arith.index_cast %parallel_loop3A_286 : i32 to index
          %parallel_loop3A_317 = tpu.vector_load %parallel_loop3A_314[%parallel_loop3A_315, %parallel_loop3A_316] {strides = array<i32>} : memref<4x4096xf32, #tpu.memory_space<vmem>>, vector<16xf32>,
          %parallel_loop3A_318 = arith.constant true
          %parallel_loop3A_319 = vector.broadcast %parallel_loop3A_318 : i1 to vector<16xi1>
          %parallel_loop3A_320 = tpu.scan <sum>, %parallel_loop3A_317 masked %parallel_loop3A_319 : vector<16xf32>, vector<16xi1> -> vector<16xf32>
          %parallel_loop3A_321 = vector.broadcast %parallel_loop3A_282 : f32 to vector<16xf32>
          %parallel_loop3A_322 = arith.addf %parallel_loop3A_320, %parallel_loop3A_321 : vector<16xf32>
          %parallel_loop3A_323 = arith.constant 1 : i32
          %parallel_loop3A_324 = arith.constant 0 : i32
          %parallel_loop3A_325 = arith.constant 0 : i32
          %parallel_loop3A_326 = tpu.memref_slice %run_scoped3A_8[%rem3A_201, %parallel_loop3A_324, %parallel_loop3A_325] : memref<2x4x4096xf32, #tpu.memory_space<vmem>> -> memref<1x4x4096xf32, #tpu.memory_space<vmem>>
          %parallel_loop3A_327 = tpu.memref_squeeze %parallel_loop3A_326 : memref<1x4x4096xf32, #tpu.memory_space<vmem>> -> memref<4x4096xf32, #tpu.memory_space<vmem>>
          %parallel_loop3A_328 = arith.index_cast %parallel_loop3A_323 : i32 to index
          %parallel_loop3A_329 = arith.index_cast %parallel_loop3A_286 : i32 to index
          %parallel_loop3A_330 = tpu.vector_load %parallel_loop3A_327[%parallel_loop3A_328, %parallel_loop3A_329] {strides = array<i32>} : memref<4x4096xf32, #tpu.memory_space<vmem>>, vector<16xf32>,
          tpu.vector_store %parallel_loop3A_327[%parallel_loop3A_328, %parallel_loop3A_329], %parallel_loop3A_322 {strides = array<i32>} : memref<4x4096xf32, #tpu.memory_space<vmem>>, vector<16xf32>,
          %parallel_loop3A_331 = vector.extract_strided_slice %parallel_loop3A_322 {offsets = [15], sizes = [1], strides = [1]} : vector<16xf32> to vector<1xf32>
          %parallel_loop3A_332 = vector.extract %parallel_loop3A_331[0] : f32 from vector<1xf32>
          %parallel_loop3A_333 = arith.constant 2 : i32
          %parallel_loop3A_334 = arith.constant 0 : i32
          %parallel_loop3A_335 = arith.constant 0 : i32
          %parallel_loop3A_336 = tpu.memref_slice %run_scoped3A[%rem3A_199, %parallel_loop3A_334, %parallel_loop3A_335] : memref<2x4x4096xf32, #tpu.memory_space<vmem>> -> memref<1x4x4096xf32, #tpu.memory_space<vmem>>
          %parallel_loop3A_337 = tpu.memref_squeeze %parallel_loop3A_336 : memref<1x4x4096xf32, #tpu.memory_space<vmem>> -> memref<4x4096xf32, #tpu.memory_space<vmem>>
          %parallel_loop3A_338 = arith.index_cast %parallel_loop3A_333 : i32 to index
          %parallel_loop3A_339 = arith.index_cast %parallel_loop3A_286 : i32 to index
          %parallel_loop3A_340 = tpu.vector_load %parallel_loop3A_337[%parallel_loop3A_338, %parallel_loop3A_339] {strides = array<i32>} : memref<4x4096xf32, #tpu.memory_space<vmem>>, vector<16xf32>,
          %parallel_loop3A_341 = arith.constant true
          %parallel_loop3A_342 = vector.broadcast %parallel_loop3A_341 : i1 to vector<16xi1>
          %parallel_loop3A_343 = tpu.scan <sum>, %parallel_loop3A_340 masked %parallel_loop3A_342 : vector<16xf32>, vector<16xi1> -> vector<16xf32>
          %parallel_loop3A_344 = vector.broadcast %parallel_loop3A_283 : f32 to vector<16xf32>
          %parallel_loop3A_345 = arith.addf %parallel_loop3A_343, %parallel_loop3A_344 : vector<16xf32>
          %parallel_loop3A_346 = arith.constant 2 : i32
          %parallel_loop3A_347 = arith.constant 0 : i32
          %parallel_loop3A_348 = arith.constant 0 : i32
          %parallel_loop3A_349 = tpu.memref_slice %run_scoped3A_8[%rem3A_201, %parallel_loop3A_347, %parallel_loop3A_348] : memref<2x4x4096xf32, #tpu.memory_space<vmem>> -> memref<1x4x4096xf32, #tpu.memory_space<vmem>>
          %parallel_loop3A_350 = tpu.memref_squeeze %parallel_loop3A_349 : memref<1x4x4096xf32, #tpu.memory_space<vmem>> -> memref<4x4096xf32, #tpu.memory_space<vmem>>
          %parallel_loop3A_351 = arith.index_cast %parallel_loop3A_346 : i32 to index
          %parallel_loop3A_352 = arith.index_cast %parallel_loop3A_286 : i32 to index
          %parallel_loop3A_353 = tpu.vector_load %parallel_loop3A_350[%parallel_loop3A_351, %parallel_loop3A_352] {strides = array<i32>} : memref<4x4096xf32, #tpu.memory_space<vmem>>, vector<16xf32>,
          tpu.vector_store %parallel_loop3A_350[%parallel_loop3A_351, %parallel_loop3A_352], %parallel_loop3A_345 {strides = array<i32>} : memref<4x4096xf32, #tpu.memory_space<vmem>>, vector<16xf32>,
          %parallel_loop3A_354 = vector.extract_strided_slice %parallel_loop3A_345 {offsets = [15], sizes = [1], strides = [1]} : vector<16xf32> to vector<1xf32>
          %parallel_loop3A_355 = vector.extract %parallel_loop3A_354[0] : f32 from vector<1xf32>
          %parallel_loop3A_356 = arith.constant 3 : i32
          %parallel_loop3A_357 = arith.constant 0 : i32
          %parallel_loop3A_358 = arith.constant 0 : i32
          %parallel_loop3A_359 = tpu.memref_slice %run_scoped3A[%rem3A_199, %parallel_loop3A_357, %parallel_loop3A_358] : memref<2x4x4096xf32, #tpu.memory_space<vmem>> -> memref<1x4x4096xf32, #tpu.memory_space<vmem>>
          %parallel_loop3A_360 = tpu.memref_squeeze %parallel_loop3A_359 : memref<1x4x4096xf32, #tpu.memory_space<vmem>> -> memref<4x4096xf32, #tpu.memory_space<vmem>>
          %parallel_loop3A_361 = arith.index_cast %parallel_loop3A_356 : i32 to index
          %parallel_loop3A_362 = arith.index_cast %parallel_loop3A_286 : i32 to index
          %parallel_loop3A_363 = tpu.vector_load %parallel_loop3A_360[%parallel_loop3A_361, %parallel_loop3A_362] {strides = array<i32>} : memref<4x4096xf32, #tpu.memory_space<vmem>>, vector<16xf32>,
          %parallel_loop3A_364 = arith.constant true
          %parallel_loop3A_365 = vector.broadcast %parallel_loop3A_364 : i1 to vector<16xi1>
          %parallel_loop3A_366 = tpu.scan <sum>, %parallel_loop3A_363 masked %parallel_loop3A_365 : vector<16xf32>, vector<16xi1> -> vector<16xf32>
          %parallel_loop3A_367 = vector.broadcast %parallel_loop3A_284 : f32 to vector<16xf32>
          %parallel_loop3A_368 = arith.addf %parallel_loop3A_366, %parallel_loop3A_367 : vector<16xf32>
          %parallel_loop3A_369 = arith.constant 3 : i32
          %parallel_loop3A_370 = arith.constant 0 : i32
          %parallel_loop3A_371 = arith.constant 0 : i32
          %parallel_loop3A_372 = tpu.memref_slice %run_scoped3A_8[%rem3A_201, %parallel_loop3A_370, %parallel_loop3A_371] : memref<2x4x4096xf32, #tpu.memory_space<vmem>> -> memref<1x4x4096xf32, #tpu.memory_space<vmem>>
          %parallel_loop3A_373 = tpu.memref_squeeze %parallel_loop3A_372 : memref<1x4x4096xf32, #tpu.memory_space<vmem>> -> memref<4x4096xf32, #tpu.memory_space<vmem>>
          %parallel_loop3A_374 = arith.index_cast %parallel_loop3A_369 : i32 to index
          %parallel_loop3A_375 = arith.index_cast %parallel_loop3A_286 : i32 to index
          %parallel_loop3A_376 = tpu.vector_load %parallel_loop3A_373[%parallel_loop3A_374, %parallel_loop3A_375] {strides = array<i32>} : memref<4x4096xf32, #tpu.memory_space<vmem>>, vector<16xf32>,
          tpu.vector_store %parallel_loop3A_373[%parallel_loop3A_374, %parallel_loop3A_375], %parallel_loop3A_368 {strides = array<i32>} : memref<4x4096xf32, #tpu.memory_space<vmem>>, vector<16xf32>,
          %parallel_loop3A_377 = vector.extract_strided_slice %parallel_loop3A_368 {offsets = [15], sizes = [1], strides = [1]} : vector<16xf32> to vector<1xf32>
          %parallel_loop3A_378 = vector.extract %parallel_loop3A_377[0] : f32 from vector<1xf32>
          scf.yield %parallel_loop3A_309, %parallel_loop3A_332, %parallel_loop3A_355, %parallel_loop3A_378 : f32, f32, f32, f32
        } {sc.loop_unroll_factor = 4 : i64, sc.parallel_access}
        "tpu.trace_stop"() : () -> ()
        %ne3A_209 = arith.cmpi ne, %add3A_131, %add3A_149 : i32
        %or3A_210 = arith.constant false
        %or3A_211 = arith.ori %or3A_210, %ne3A_209 : i1
        %or3A_212 = arith.constant false
        %or3A_213 = arith.ori %or3A_211, %or3A_212 : i1
        %or3A_214 = arith.ori %or3A_213, %eq3A_130 : i1
        %convert_element_type3A_215 = arith.extui %or3A_214 : i1 to i32
        %cond3A_216 = arith.constant 0 : i32
        %cond3A_217 = arith.cmpi ne, %convert_element_type3A_215, %cond3A_216 : i32
        scf.if %cond3A_217 {
        } else {
        }
        %and3A_218 = arith.constant false
        %and3A_219 = arith.andi %or3A_214, %and3A_218 : i1
        %ne3A_220 = arith.cmpi ne, %add3A_131, %add3A_149 : i32
        %or3A_221 = arith.constant false
        %or3A_222 = arith.ori %or3A_221, %ne3A_220 : i1
        %or3A_223 = arith.constant false
        %or3A_224 = arith.ori %or3A_222, %or3A_223 : i1
        %or3A_225 = arith.ori %or3A_224, %eq3A_130 : i1
        %convert_element_type3A_226 = arith.extui %or3A_225 : i1 to i32
        %cond3A_227 = arith.constant 0 : i32
        %cond3A_228 = arith.cmpi ne, %convert_element_type3A_226, %cond3A_227 : i32
        scf.if %cond3A_228 {
          "tpu.trace_start"() <{level = 10 : i32, message = "ep_copy_out"}> : () -> ()
          %rem3A_280 = arith.constant 2 : i32
          %rem3A_281 = arith.remui %scan3A_124, %rem3A_280 : i32
          %mul3A_282 = arith.constant 4 : i32
          %mul3A_283 = arith.muli %mul3A_282, %add3A_131 : i32
          %dma_start3A_284 = arith.constant 0 : i32
          %dma_start3A_285 = arith.constant 0 : i32
          %dma_start3A_286 = tpu.memref_slice %run_scoped3A_8[%rem3A_281, %dma_start3A_284, %dma_start3A_285] : memref<2x4x4096xf32, #tpu.memory_space<vmem>> -> memref<1x4x4096xf32, #tpu.memory_space<vmem>>
          %dma_start3A_287 = tpu.memref_squeeze %dma_start3A_286 : memref<1x4x4096xf32, #tpu.memory_space<vmem>> -> memref<4x4096xf32, #tpu.memory_space<vmem>>
          %dma_start3A_288 = arith.constant 0 : i32
          %dma_start3A_289 = tpu.memref_slice %arg3[%mul3A_283, %dma_start3A_288] : memref<8192x4096xf32, #tpu.memory_space<hbm>> -> memref<4x4096xf32, #tpu.memory_space<hbm>>
          %dma_start3A_290 = tpu.memref_slice %run_scoped3A_9[%rem3A_281] : memref<2x!tpu.dma_semaphore, #tpu.memory_space<semaphore_mem>> -> memref<1x!tpu.dma_semaphore, #tpu.memory_space<semaphore_mem>>
          %dma_start3A_291 = tpu.memref_squeeze %dma_start3A_290 : memref<1x!tpu.dma_semaphore, #tpu.memory_space<semaphore_mem>> -> memref<!tpu.dma_semaphore, #tpu.memory_space<semaphore_mem>>
          %dma_start3A_292 = arith.constant 0 : i32
          %dma_start3A_293 = tpu.memref_slice %arg3[%mul3A_283, %dma_start3A_292] : memref<8192x4096xf32, #tpu.memory_space<hbm>> -> memref<4x4096xf32, #tpu.memory_space<hbm>>
          %dma_start3A_294 = arith.constant 0 : i32
          %dma_start3A_295 = arith.constant 0 : i32
          %dma_start3A_296 = tpu.memref_slice %run_scoped3A_8[%rem3A_281, %dma_start3A_294, %dma_start3A_295] : memref<2x4x4096xf32, #tpu.memory_space<vmem>> -> memref<1x4x4096xf32, #tpu.memory_space<vmem>>
          %dma_start3A_297 = tpu.memref_squeeze %dma_start3A_296 : memref<1x4x4096xf32, #tpu.memory_space<vmem>> -> memref<4x4096xf32, #tpu.memory_space<vmem>>
          tpu.enqueue_dma source(%dma_start3A_297 : memref<4x4096xf32, #tpu.memory_space<vmem>>) target(%dma_start3A_293 : memref<4x4096xf32, #tpu.memory_space<hbm>>) target_semaphore(%dma_start3A_291 : memref<!tpu.dma_semaphore, #tpu.memory_space<semaphore_mem>>)
          "tpu.trace_stop"() : () -> ()
        } else {
        }
        %and3A_229 = arith.constant true
        %and3A_230 = arith.andi %or3A_225, %and3A_229 : i1
        %add3A_231 = arith.constant 1 : i32
        %add3A_232 = arith.addi %scan3A_124, %add3A_231 : i32
        %select_n3A_233 = arith.select %and3A_230, %add3A_232, %scan3A_124 : i32
        %ne3A_234 = arith.cmpi ne, %add3A_131, %add3A_140 : i32
        %or3A_235 = arith.constant false
        %or3A_236 = arith.ori %or3A_235, %ne3A_234 : i1
        %or3A_237 = arith.constant false
        %or3A_238 = arith.ori %or3A_236, %or3A_237 : i1
        %not3A_239 = arith.constant true
        %not3A_240 = arith.xori %eq3A_128, %not3A_239 : i1
        %and3A_241 = arith.andi %or3A_238, %not3A_240 : i1
        %convert_element_type3A_242 = arith.extui %and3A_241 : i1 to i32
        %cond3A_243 = arith.constant 0 : i32
        %cond3A_244 = arith.cmpi ne, %convert_element_type3A_242, %cond3A_243 : i32
        scf.if %cond3A_244 {
        } else {
        }
        %and3A_245 = arith.constant false
        %and3A_246 = arith.andi %and3A_241, %and3A_245 : i1
        %ne3A_247 = arith.cmpi ne, %add3A_131, %add3A_140 : i32
        %or3A_248 = arith.constant false
        %or3A_249 = arith.ori %or3A_248, %ne3A_247 : i1
        %or3A_250 = arith.constant false
        %or3A_251 = arith.ori %or3A_249, %or3A_250 : i1
        %not3A_252 = arith.constant true
        %not3A_253 = arith.xori %eq3A_128, %not3A_252 : i1
        %and3A_254 = arith.andi %or3A_251, %not3A_253 : i1
        %convert_element_type3A_255 = arith.extui %and3A_254 : i1 to i32
        %cond3A_256 = arith.constant 0 : i32
        %cond3A_257 = arith.cmpi ne, %convert_element_type3A_255, %cond3A_256 : i32
        scf.if %cond3A_257 {
          "tpu.trace_start"() <{level = 10 : i32, message = "ep_wait_out"}> : () -> ()
          %rem3A_280 = arith.constant 2 : i32
          %rem3A_281 = arith.remui %scan3A_125, %rem3A_280 : i32
          %mul3A_282 = arith.constant 4 : i32
          %mul3A_283 = arith.muli %mul3A_282, %add3A_140 : i32
          %dma_wait3A_284 = arith.constant 0 : i32
          %dma_wait3A_285 = arith.constant 0 : i32
          %dma_wait3A_286 = tpu.memref_slice %run_scoped3A_8[%rem3A_281, %dma_wait3A_284, %dma_wait3A_285] : memref<2x4x4096xf32, #tpu.memory_space<vmem>> -> memref<1x4x4096xf32, #tpu.memory_space<vmem>>
          %dma_wait3A_287 = tpu.memref_squeeze %dma_wait3A_286 : memref<1x4x4096xf32, #tpu.memory_space<vmem>> -> memref<4x4096xf32, #tpu.memory_space<vmem>>
          %dma_wait3A_288 = arith.constant 0 : i32
          %dma_wait3A_289 = tpu.memref_slice %arg3[%mul3A_283, %dma_wait3A_288] : memref<8192x4096xf32, #tpu.memory_space<hbm>> -> memref<4x4096xf32, #tpu.memory_space<hbm>>
          %dma_wait3A_290 = tpu.memref_slice %run_scoped3A_9[%rem3A_281] : memref<2x!tpu.dma_semaphore, #tpu.memory_space<semaphore_mem>> -> memref<1x!tpu.dma_semaphore, #tpu.memory_space<semaphore_mem>>
          %dma_wait3A_291 = tpu.memref_squeeze %dma_wait3A_290 : memref<1x!tpu.dma_semaphore, #tpu.memory_space<semaphore_mem>> -> memref<!tpu.dma_semaphore, #tpu.memory_space<semaphore_mem>>
          %dma_wait3A_292 = arith.constant 0 : i32
          %dma_wait3A_293 = tpu.memref_slice %arg3[%mul3A_283, %dma_wait3A_292] : memref<8192x4096xf32, #tpu.memory_space<hbm>> -> memref<4x4096xf32, #tpu.memory_space<hbm>>
          %dma_wait3A_294 = arith.constant 0 : i32
          %dma_wait3A_295 = arith.constant 0 : i32
          %dma_wait3A_296 = tpu.memref_slice %run_scoped3A_8[%rem3A_281, %dma_wait3A_294, %dma_wait3A_295] : memref<2x4x4096xf32, #tpu.memory_space<vmem>> -> memref<1x4x4096xf32, #tpu.memory_space<vmem>>
          %dma_wait3A_297 = tpu.memref_squeeze %dma_wait3A_296 : memref<1x4x4096xf32, #tpu.memory_space<vmem>> -> memref<4x4096xf32, #tpu.memory_space<vmem>>
          tpu.wait_dma2 semaphore(%dma_wait3A_291 : memref<!tpu.dma_semaphore, #tpu.memory_space<semaphore_mem>>) src(%dma_wait3A_297 : memref<4x4096xf32, #tpu.memory_space<vmem>>) dst(%dma_wait3A_293 : memref<4x4096xf32, #tpu.memory_space<hbm>>)
          "tpu.trace_stop"() : () -> ()
        } else {
        }
        %and3A_258 = arith.constant true
        %and3A_259 = arith.andi %and3A_254, %and3A_258 : i1
        %add3A_260 = arith.constant 1 : i32
        %add3A_261 = arith.addi %scan3A_125, %add3A_260 : i32
        %select_n3A_262 = arith.select %and3A_259, %add3A_261, %scan3A_125 : i32
        %ne3A_263 = arith.cmpi ne, %add3A_131, %add3A_149 : i32
        %or3A_264 = arith.constant false
        %or3A_265 = arith.ori %or3A_264, %ne3A_263 : i1
        %or3A_266 = arith.constant false
        %or3A_267 = arith.ori %or3A_265, %or3A_266 : i1
        %or3A_268 = arith.ori %or3A_267, %eq3A_130 : i1
        %add3A_269 = arith.constant 1 : i32
        %add3A_270 = arith.addi %scan3A_123, %add3A_269 : i32
        %select_n3A_271 = arith.select %or3A_268, %add3A_270, %scan3A_123 : i32
        %add3A_272 = arith.constant 1 : i32
        %add3A_273 = arith.addi %scan3A_126, %add3A_272 : i32
        %select_n3A_274 = arith.constant true
        %select_n3A_275 = arith.select %select_n3A_274, %add3A_273, %scan3A_126 : i32
        %eq3A_276 = arith.constant 64 : i32
        %eq3A_277 = arith.cmpi eq, %select_n3A_275, %eq3A_276 : i32
        %select_n3A_278 = arith.constant 0 : i32
        %select_n3A_279 = arith.select %eq3A_277, %select_n3A_278, %select_n3A_275 : i32
        scf.yield %select_n3A_169, %select_n3A_271, %select_n3A_233, %select_n3A_262, %select_n3A_279 : i32, i32, i32, i32, i32
      }
      %scan3A_68 = arith.constant 64 : i32
      %sub3A = arith.constant 1 : i32
      %sub3A_69 = arith.subi %scan3A_67#4, %sub3A : i32
      %select_n3A_70 = arith.constant true
      %select_n3A_71 = arith.select %select_n3A_70, %sub3A_69, %scan3A_67#4 : i32
      %eq3A_72 = arith.constant -1 : i32
      %eq3A_73 = arith.cmpi eq, %select_n3A_71, %eq3A_72 : i32
      %select_n3A_74 = arith.constant 63 : i32
      %select_n3A_75 = arith.select %eq3A_73, %select_n3A_74, %select_n3A_71 : i32
      %add3A_76 = arith.addi %select_n3A_75, %mul3A_6 : i32
      %sub3A_77 = arith.constant 1 : i32
      %sub3A_78 = arith.subi %select_n3A_75, %sub3A_77 : i32
      %select_n3A_79 = arith.constant true
      %select_n3A_80 = arith.select %select_n3A_79, %sub3A_78, %select_n3A_75 : i32
      %eq3A_81 = arith.constant -1 : i32
      %eq3A_82 = arith.cmpi eq, %select_n3A_80, %eq3A_81 : i32
      %select_n3A_83 = arith.constant 63 : i32
      %select_n3A_84 = arith.select %eq3A_82, %select_n3A_83, %select_n3A_80 : i32
      %add3A_85 = arith.addi %select_n3A_84, %mul3A_6 : i32
      %add3A_86 = arith.constant 1 : i32
      %add3A_87 = arith.addi %select_n3A_75, %add3A_86 : i32
      %select_n3A_88 = arith.constant true
      %select_n3A_89 = arith.select %select_n3A_88, %add3A_87, %select_n3A_75 : i32
      %eq3A_90 = arith.constant 64 : i32
      %eq3A_91 = arith.cmpi eq, %select_n3A_89, %eq3A_90 : i32
      %select_n3A_92 = arith.constant 0 : i32
      %select_n3A_93 = arith.select %eq3A_91, %select_n3A_92, %select_n3A_89 : i32
      %add3A_94 = arith.addi %select_n3A_93, %mul3A_6 : i32
      %add3A_95 = arith.constant 1 : i32
      %add3A_96 = arith.addi %select_n3A_93, %add3A_95 : i32
      %select_n3A_97 = arith.constant true
      %select_n3A_98 = arith.select %select_n3A_97, %add3A_96, %select_n3A_93 : i32
      %eq3A_99 = arith.constant 64 : i32
      %eq3A_100 = arith.cmpi eq, %select_n3A_98, %eq3A_99 : i32
      %select_n3A_101 = arith.constant 0 : i32
      %select_n3A_102 = arith.select %eq3A_100, %select_n3A_101, %select_n3A_98 : i32
      %add3A_103 = arith.addi %select_n3A_102, %mul3A_6 : i32
      "tpu.trace_start"() <{level = 10 : i32, message = "ep_finalize"}> : () -> ()
      %rem3A_104 = arith.constant 2 : i32
      %rem3A_105 = arith.remui %scan3A_67#3, %rem3A_104 : i32
      %mul3A_106 = arith.constant 4 : i32
      %mul3A_107 = arith.muli %mul3A_106, %add3A_76 : i32
      %dma_wait3A = arith.constant 0 : i32
      %dma_wait3A_108 = arith.constant 0 : i32
      %dma_wait3A_109 = tpu.memref_slice %run_scoped3A_8[%rem3A_105, %dma_wait3A, %dma_wait3A_108] : memref<2x4x4096xf32, #tpu.memory_space<vmem>> -> memref<1x4x4096xf32, #tpu.memory_space<vmem>>
      %dma_wait3A_110 = tpu.memref_squeeze %dma_wait3A_109 : memref<1x4x4096xf32, #tpu.memory_space<vmem>> -> memref<4x4096xf32, #tpu.memory_space<vmem>>
      %dma_wait3A_111 = arith.constant 0 : i32
      %dma_wait3A_112 = tpu.memref_slice %arg3[%mul3A_107, %dma_wait3A_111] : memref<8192x4096xf32, #tpu.memory_space<hbm>> -> memref<4x4096xf32, #tpu.memory_space<hbm>>
      %dma_wait3A_113 = tpu.memref_slice %run_scoped3A_9[%rem3A_105] : memref<2x!tpu.dma_semaphore, #tpu.memory_space<semaphore_mem>> -> memref<1x!tpu.dma_semaphore, #tpu.memory_space<semaphore_mem>>
      %dma_wait3A_114 = tpu.memref_squeeze %dma_wait3A_113 : memref<1x!tpu.dma_semaphore, #tpu.memory_space<semaphore_mem>> -> memref<!tpu.dma_semaphore, #tpu.memory_space<semaphore_mem>>
      %dma_wait3A_115 = arith.constant 0 : i32
      %dma_wait3A_116 = tpu.memref_slice %arg3[%mul3A_107, %dma_wait3A_115] : memref<8192x4096xf32, #tpu.memory_space<hbm>> -> memref<4x4096xf32, #tpu.memory_space<hbm>>
      %dma_wait3A_117 = arith.constant 0 : i32
      %dma_wait3A_118 = arith.constant 0 : i32
      %dma_wait3A_119 = tpu.memref_slice %run_scoped3A_8[%rem3A_105, %dma_wait3A_117, %dma_wait3A_118] : memref<2x4x4096xf32, #tpu.memory_space<vmem>> -> memref<1x4x4096xf32, #tpu.memory_space<vmem>>
      %dma_wait3A_120 = tpu.memref_squeeze %dma_wait3A_119 : memref<1x4x4096xf32, #tpu.memory_space<vmem>> -> memref<4x4096xf32, #tpu.memory_space<vmem>>
      tpu.wait_dma2 semaphore(%dma_wait3A_114 : memref<!tpu.dma_semaphore, #tpu.memory_space<semaphore_mem>>) src(%dma_wait3A_120 : memref<4x4096xf32, #tpu.memory_space<vmem>>) dst(%dma_wait3A_116 : memref<4x4096xf32, #tpu.memory_space<hbm>>)
      "tpu.trace_stop"() : () -> ()
      tpu.yield
    }) : () -> ()
    return
  }
}

</mosaic_0001>

<sc_bundles>
// kernel: kernel.3.cloned.1.call-start
scs
__scs_entry_jumppad:
0x0: {  	(pc) =	sbr.rel $0x88, $3  }
0x1: {  	(tag) =	ssettag $0x0;
	lr =	simm.s32 $0x1  }
0x2: {  	[smem:$0x3FA0] =	sst lr;
	_ =	strace $0xD0000000  }
0x3: {  	_ = 	snop  }
0x4: {  	_ = 	snop  }
0x5: {  	_ = 	snop  }
0x6: {  	_ = 	snop  }
0x7: {  	_ = 	snop  }
__scs_overlays_trampoline_lowered:
0x8: {  	[smem:$0x3FAF] =	sst s0  }
0x9: {  	[smem:$0x3FB0] =	sst s1  }
0xa: {  	[smem:$0x3FB1] =	sst s2  }
0xb: {  	[smem:$0x3FB2] =	sst s3  }
0xc: {  	[smem:$0x3FB3] =	sst s4  }
0xd: {  	[smem:$0x3FB4] =	sst s5  }
0xe: {  	[smem:$0x3FB5] =	sst s6  }
0xf: {  	[smem:$0x3FB6] =	sst s7  }
0x10: {  	[smem:$0x3FB7] =	sst s8  }
0x11: {  	[smem:$0x3FB8] =	sst s9;
	s0 =	simm.s32 @!p0 $0x0  }
0x12: {  	s1 =	sld [smem:$0x3F9E];
	s0 =	simm.s32 @p0 $0x1  }
0x13: {  	[smem:$0x3FB9] =	sst s0;
	s0 =	simm.s32 @!p1 $0x0  }
0x14: {  	s2 =	sld [smem:$0x3F9D];
	s0 =	simm.s32 @p1 $0x1  }
0x15: {  	[smem:$0x3FBA] =	sst s0;
	s0 =	simm.s32 @!p2 $0x0  }
0x16: {  	s3 =	sld [smem:$0x3FDB];
	s0 =	simm.s32 @p2 $0x1  }
0x17: {  	s4 =	simm.s32 $0x1BF5;
	[smem:$0x3FBC] =	sst s0  }
0x18: {  	s0 =	sld [smem:$0x3F9F];
	_ =	swait.ge [sflag:s4], $0x0  }
0x19: {  	s7 =	sld [smem:$0x3FA0]  }
0x1a: {  	s8 =	sadd.s32 $0xFFFFE003, lr  }
0x1b: {  	s9 =	sadd.s32 $0xFFFFFEF7, lr;
	s5 =	simm.s32 $0xFFFFFFFF;
	p2 =	slt.u32 s8, $0xFFFFF086  }
0x1c: {  	p1 =	slt.u32 s9, $0xF7A;
	s5 =	simm.s32 @!p2 $0x0  }
0x1d: {  	s5 =	simm.s32 @p1 $0x1;
	p0 =	seq.s32 s7, s2  }
0x1e: {  	s7 =	smul.u32 @!p0 $0xF7A, s2;
	p2 =	seq.s32 @!p0 s5, $0x0  }
0x1f: {  	s9 =	smul.u32 $0xF7A, s1;
	s8 =	simm.s32 @!p0 $0x1BF5;
	p2 =	por !p2, p0  }
0x20: {  	[sflag:s8] =	ssyncset.s32 @!p0 $0xFFFFF086;
	s6 =	sadd.s32 @!p0 s3, s7;
	s7 =	simm.s32 @!p0 $0x108  }
0x21: {  	s3 =	sadd.s32 s3, s9;
	s6 =	sadd.s32 @!p0 $0x88, s6;
	s7 =	simm.s32 @p2 $0x1082  }
0x22: {  	[simem:s7], [sflag:s8] =	dma.local @!p0 [hbm:s6], $0xF7A  }
0x23: {  	s9 =	sor.u32 $0xD0000000, s2;
	s6 =	simm.s32 $0x108;
	_ =	swait.ge @!p0 [sflag:s8], $0x0  }
0x24: {  	s3 =	sadd.s32 $0x88, s3;
	s6 =	simm.s32 @!p1 $0x1082;
	[sflag:s4] =	ssyncset.s32 $0xFFFFF086  }
0x25: {  	[simem:s6], [sflag:s4] =	dma.local [hbm:s3], $0xF7A  }
0x26: {  	[smem:$0x3FA0] =	sst s1;
	(tag) =	ssettag s2;
	_ =	strace s9  }
0x27: {  	s1 =	sld [smem:$0x3FB0]  }
0x28: {  	s2 =	sld [smem:$0x3FB1]  }
0x29: {  	s4 =	sld [smem:$0x3FB3]  }
0x2a: {  	p0 =	seq.s32 s5, $0x0;
	s5 =	sld [smem:$0x3FB4]  }
0x2b: {  	s6 =	sld [smem:$0x3FB5]  }
0x2c: {  	s7 =	sld [smem:$0x3FB6]  }
0x2d: {  	s3 =	simm.s32 $0x108;
	s8 =	sld [smem:$0x3FB7]  }
0x2e: {  	s3 =	simm.s32 @!p0 $0x1082;
	s9 =	sld [smem:$0x3FB8]  }
0x2f: {  	lr =	sadd.s32 s0, s3;
	s0 =	sld [smem:$0x3FAF]  }
0x30: {  	s3 =	sld [smem:$0x3FB2]  }
0x31: {  	[smem:$0x3FBB] =	sst s10  }
0x32: {  	s10 =	sld [smem:$0x3FB9];
	_ =	sdelay $0x3  }
0x33: {  	p0 =	seq.s32 s10, $0x1;
	s10 =	sld [smem:$0x3FBB];
	_ =	sdelay $0x3  }
0x34: {  	[smem:$0x3FBB] =	sst s10  }
0x35: {  	s10 =	sld [smem:$0x3FBA];
	_ =	sdelay $0x3  }
0x36: {  	p1 =	seq.s32 s10, $0x1;
	s10 =	sld [smem:$0x3FBB];
	_ =	sdelay $0x3  }
0x37: {  	[smem:$0x3FBB] =	sst s10  }
0x38: {  	s10 =	sld [smem:$0x3FBC]  }
0x39: {  	_ = 	snop;
	(pc) =	sbr.ind lr, $3  }
0x3a: {  	_ = 	snop  }
0x3b: {  	_ = 	snop  }
0x3c: {  	p2 =	seq.s32 s10, $0x1;
	s10 =	sld [smem:$0x3FBB]  }
0x3d: {  	_ =	shalt  }
0x3e: {  	_ =	shalt  }
0x3f: {  	_ =	shalt  }
0x40: {  	_ =	shalt  }
0x41: {  	_ =	shalt  }
0x42: {  	_ =	shalt  }
0x43: {  	_ =	shalt  }
0x44: {  	_ =	shalt  }
0x45: {  	_ =	shalt  }
0x46: {  	_ =	shalt  }
0x47: {  	_ =	shalt  }
0x48: {  	_ =	shalt  }
0x49: {  	_ =	shalt  }
0x4a: {  	_ =	shalt  }
0x4b: {  	_ =	shalt  }
0x4c: {  	_ =	shalt  }
0x4d: {  	_ =	shalt  }
0x4e: {  	_ =	shalt  }
0x4f: {  	_ =	shalt  }
0x50: {  	_ =	shalt  }
0x51: {  	_ =	shalt  }
0x52: {  	_ =	shalt  }
0x53: {  	_ =	shalt  }
0x54: {  	_ =	shalt  }
0x55: {  	_ =	shalt  }
0x56: {  	_ =	shalt  }
0x57: {  	_ =	shalt  }
0x58: {  	_ =	shalt  }
0x59: {  	_ =	shalt  }
0x5a: {  	_ =	shalt  }
0x5b: {  	_ =	shalt  }
0x5c: {  	_ =	shalt  }
0x5d: {  	_ =	shalt  }
0x5e: {  	_ =	shalt  }
0x5f: {  	_ =	shalt  }
0x60: {  	_ =	shalt  }
0x61: {  	_ =	shalt  }
0x62: {  	_ =	shalt  }
0x63: {  	_ =	shalt  }
0x64: {  	_ =	shalt  }
0x65: {  	_ =	shalt  }
0x66: {  	_ =	shalt  }
0x67: {  	_ =	shalt  }
0x68: {  	_ =	shalt  }
0x69: {  	_ =	shalt  }
0x6a: {  	_ =	shalt  }
0x6b: {  	_ =	shalt  }
0x6c: {  	_ =	shalt  }
0x6d: {  	_ =	shalt  }
0x6e: {  	_ =	shalt  }
0x6f: {  	_ =	shalt  }
0x70: {  	_ =	shalt  }
0x71: {  	_ =	shalt  }
0x72: {  	_ =	shalt  }
0x73: {  	_ =	shalt  }
0x74: {  	_ =	shalt  }
0x75: {  	_ =	shalt  }
0x76: {  	_ =	shalt  }
0x77: {  	_ =	shalt  }
0x78: {  	_ =	shalt  }
0x79: {  	_ =	shalt  }
0x7a: {  	_ =	shalt  }
0x7b: {  	_ =	shalt  }
0x7c: {  	_ =	shalt  }
0x7d: {  	_ =	shalt  }
0x7e: {  	_ =	shalt  }
0x7f: {  	_ =	shalt  }
0x80: {  	_ =	shalt  }
0x81: {  	_ =	shalt  }
0x82: {  	_ =	shalt  }
0x83: {  	_ =	shalt  }
0x84: {  	_ =	shalt  }
0x85: {  	_ =	shalt  }
0x86: {  	_ =	shalt  }
0x87: {  	_ =	shalt  }
.Lfunc_end0:
.L_simem_size_0:
called_computation_lowered:
.L_overlay_start_0:
0x88: {  	s2 =	sld [smem:$0x3FD9]  }
0x89: {  	s3 =	sld [smem:$0x3FFE];
	_ =	sdelay $0x1  }
0x8a: {  	s1 =	srdreg.scid  }
0x8b: {  	s0 =	sand.u32 $0x1, s1  }
0x8c: {  	s18 =	sshll.u32 s0, $0xA;
	s2 =	sadd.s32 s3, s2  }
0x8d: {  	s2 =	sadd.s32 s2, s18  }
0x8e: {  	[smem:$0x3FC7] =	sst s2  }
0x8f: {  	_ = 	snop  }
0x90: {  	s2 =	sld [smem:$0x3FC9]  }
0x91: {  	s19 =	sld [smem:$0x3FD0];
	(tm) =	ssettm $0x1  }
0x92: {  	s4 =	sld [smem:$0x3FFB];
	_ =	sdelay $0x3  }
0x93: {  	_ =	strace s4  }
0x94: {  	s4 =	sld [smem:$0x3FFC];
	_ =	sdelay $0x3  }
0x95: {  	_ =	strace s4  }
0x96: {  	s4 =	sld [smem:$0x3FFD];
	_ =	sdelay $0x3  }
0x97: {  	_ =	strace s4  }
0x98: {  	_ =	strace $0x8FFFFFFF  }
0x99: {  	s20 =	sld [smem:$0x3FDB];
	_ =	sdelay $0x1  }
0x9a: {  	s5 =	simm.s32 $_scs_section_size  }
0x9b: {  	s6 =	simm.s32 $_size__tile_overlayer_lowered;
	s7 =	simm.s32 $_tile_overlayer_lowered  }
0x9c: {  	s23 =	simm.s32 $0x1BFF;
	s22 =	sshll.u32 s7, $0x1;
	s4 =	sadd.s32 s5, s20  }
0x9d: {  	s8 =	simm.s32 $0x0;
	s21 =	sshll.u32 s6, $0x1;
	s6 =	sadd.s32 s22, s4  }
0x9e: {  	[timem:s8], [sflag:s23] =	dma.local [hbm:s6], s21  }
0x9f: {  	_ =	swait.ge [sflag:s23], s21  }
0xa0: {  	s5 =	ssub.s32 $0x0, s21;
	[sflag:s23] =	ssyncset.done $0x0  }
0xa1: {  	[sflag:s23] =	ssyncadd.s32 s5;
	_ =	sdelay $0x1  }
0xa2: {  	s24 =	simm.s32 $0x1B8B  }
0xa3: {  	_ =	swait.ge [sflag:s24], $0x1  }
0xa4: {  	[sflag:s24] =	ssyncset.done $0x0  }
0xa5: {  	s25 =	simm.s32 $0x1B8E;
	[sflag:s24] =	ssyncadd.s32 $0xFFFFFFFF  }
0xa6: {  	s26 =	simm.s32 $execute0_lowered;
	[smem:$0x3FD2] =	sst s25  }
0xa7: {  	s5 =	sshll.u32 s26, $0x1;
	_ =	strace $0x80000046;
	[dreg:$0x1] =	wrdreg $0xFFFFFFFF  }
0xa8: {  	s28 =	simm.s32 $_size_execute0_lowered;
	s4 =	sadd.s32 s4, s5;
	[dreg:$0x0] =	wrdreg $0x0  }
0xa9: {  	s5 =	sshll.u32 s28, $0x1;
	[dreg:$0x2] =	wrdreg s4  }
0xaa: {  	[dreg:$0x3] =	wrdreg s5  }
0xab: {  	[dreg:$0x4] =	wrdreg $0xC0  }
0xac: {  	_ =	task [dreg:s8], $0x5FFFF  }
0xad: {  	[dreg:$0x1] =	wrdreg $0xFFFFFFFF  }
0xae: {  	[dreg:$0x0] =	wrdreg $0x60  }
0xaf: {  	[dreg:$0x2] =	wrdreg s2  }
0xb0: {  	[dreg:$0x3] =	wrdreg s19  }
0xb1: {  	[dreg:$0x4] =	wrdreg $0x9  }
0xb2: {  	_ =	task.clear_ibuf [dreg:s8], $0x5FFFF;
	_ =	strace $0x90000046  }
0xb3: {  	s29 =	simm.s32 $0x9;
	_ =	strace $0x8000004F  }
0xb4: {  	_ =	swait.ge [sflag:s29], $0x1  }
0xb5: {  	[sflag:s29] =	ssyncadd.s32 $0xFFFFFFFF  }
0xb6: {  	_ =	strace $0x9000004F  }
0xb7: {  	_ =	sfence  }
0xb8: {  	s30 =	sld [smem:$0x0];
	_ =	sdelay $0x2  }
0xb9: {  	s31 =	sshll.u32 s1, $0xD;
	s1 =	sshrl.u32 s1, $0x2  }
0xba: {  	s3 =	sand.u32 $0x4000, s31;
	s1 =	sadd.s32 s1, s30  }
0xbb: {  	s0 =	sor.u32 s3, s0;
	s1 =	sshll.u32 s1, $0x11  }
0xbc: {  	s0 =	sor.u32 s1, s0  }
0xbd: {  	s0 =	sadd.s32 $0x8F2B, s0  }
0xbe: {  	[sflag:s0] =	ssyncadd.remote.s32 $0x1  }
0xbf: {  	_ =	sfence.sel $0xFFFF  }
0xc0: {  	[dreg:$0x0] =	wrdreg $0xFFFFFFFF;
	(pc) =	sbr.abs _section_cstart, $3  }
0xc1: {  	[dreg:$0x1] =	wrdreg $0xFFFFFFFF  }
0xc2: {  	_ =	task.clear_ibuf [dreg:s8], $0x2FFFF;
	_ =	strace $0x9FFFFFFF  }
0xc3: {  	(tm) =	ssettm $0x7FFFFFFF  }
tec
execute0_lowered:
.L_overlay_start_1:
0x0: {  	(tag) =	ssettag $0x1  }
0x1: {  	s0 =	srdreg.scid  }
0x2: {  	s1 =	simm.s32 $0x0;
	s4 =	stileid.u32;
	s0 =	sand.u32 $0x1, s0  }
0x3: {  	[smem:$0x7FF] =	sst s1;
	s29 =	ssub.s32 $0x2, s0;
	s0 =	sshll.u32 s0, $0x4  }
0x4: {  	s3 =	rddreg [dreg:$0x0];
	_ =	strace $0x80000047;
	s0 =	sor.u32 s4, s0  }
0x5: {  	s2 =	sshrl.u32 s29, $0x1;
	s30 =	sshll.u32 s0, $0x6;
	s0 =	sshll.u32 s0, $0x11  }
0x6: {  	s1 =	ssub.s32 s29, s2;
	[dreg:$0x3] =	wrdreg s30;
	s0 =	sadd.s32 s3, s0  }
0x7: {  	s31 =	smax.u32 s1, $0x1;
	[dreg:$0x4] =	wrdreg s0  }
0x8: {  	s1 =	simm.s32 $0x0;
	[dreg:$0x5] =	wrdreg s31  }
.LBB2_1:
0x9: {  	[dreg:$0x6] =	wrdreg s1  }
0xa: {  	s0 =	simm.s32 $0x0;
	s2 =	simm.s32 $0x200;
	s3 =	simm.s32 $0x400  }
0xb: {  	s21 =	simm.s32 $0x0;
	s5 =	simm.s32 $0x0;
	_ =	strace $0x80000048  }
0xc: {  	s6 =	simm.s32 $0x0;
	s16 =	simm.s32 $0x0;
	s31 =	rddreg [dreg:$0x4]  }
0xd: {  	[tilespmem:s0], [sflag:$0x1] =	stream.strided.gather [hbm4b:s31+s2], $0x4000, s3, s2, $0x200038;
	[tilespmem:$0x10000] =	vst v63  }
0xe: {  	s2 =	simm.s32 $0x0;
	s3 =	simm.s32 $0x1;
	_ =	strace $0x90000048  }
.LBB2_2:
0xf: {  	s1 =	sadd.s32 $0x1, s21  }
0x10: {  	p0 =	seq.s32 s1, $0x40  }
0x11: {  	s1 =	simm.s32 @p0 $0x0  }
0x12: {  	p6 =	sne.s32 s16, $0x3F;
	p1 =	sne.s32 s21, s1  }
0x13: {  	[dreg:$0x7] =	wrdreg s2;
	p0 =	por !p6, !p1  }
0x14: {  	s17 =	rddreg [dreg:$0x3];
	p0 =	por !p0, !p0  }
0x15: {  	s7 =	sand.u32 $0x1, s6;
	[dreg:$0xb] =	wrdreg s1;
	s0 =	sadd.s32 @p0 s17, s1  }
0x16: {  	s1 =	sshll.u32 @p0 s1, $0x9;
	_ =	strace @p0 $0x80000049;
	s0 =	sshll.u32 @p0 s0, $0xE  }
0x17: {  	[dreg:$0xa] =	wrdreg s3;
	s1 =	sand.u32 @p0 $0x200, s1;
	s0 =	sand.u32 @p0 $0xFFFF8000, s0  }
0x18: {  	s4 =	simm.s32 @p0 $0x400;
	s0 =	sor.u32 @p0 s1, s0;
	s1 =	sand.u32 @p0 $0x1, s3  }
0x19: {  	s3 =	rddreg [dreg:$0x0];
	s2 =	sshll.u32 @p0 s1, $0xE;
	s0 =	sshrl.u32 @p0 s0, $0x3  }
0x1a: {  	s1 =	sadd.s32 @p0 $0x1, s1;
	s0 =	sadd.s32 @p0 s3, s0;
	s3 =	simm.s32 @p0 $0x200  }
0x1b: {  	[tilespmem:s2], [sflag:s1] =	stream.strided.gather @p0 [hbm4b:s0+s3], $0x4000, s4, s3, $0x200038;
	[tilespmem:$0x10000] =	vst v63  }
0x1c: {  	s8 =	sshll.u32 s6, $0xE;
	_ =	strace @p0 $0x90000049;
	[dreg:$0x9] =	wrdreg s6  }
0x1d: {  	s0 =	sadd.s32 $0x1, s7;
	s1 =	sand.u32 $0x4000, s8;
	_ =	strace $0x8000004A  }
0x1e: {  	v1 =	vmov s1;
	_ =	swait.ge [sflag:s0], $0x4000  }
0x1f: {  	[sflag:s0] =	ssyncset.done $0x0  }
0x20: {  	s9 =	simm.s32 $0x0;
	[sflag:s0] =	ssyncadd.s32 $0xFFFFC000  }
0x21: {  	s10 =	sand.u32 $0x40, s9;
	s0 =	sand.u32 $0x3E00, s9;
	_ =	strace $0x9000004A  }
0x22: {  	s11 =	sor.u32 s10, s0;
	_ =	strace $0x8000004B  }
0x23: {  	v0 =	vld.idx.msk [tilespmem:v1+s11+$0x0 ss:$0x1], $0xffff;
	_ =	sdelay $0x4  }
0x24: {  	(xrf2) =	vadd.scan.msk.f32 $0xffff, v0;
	_ =	sdelay $0x4  }
0x25: {  	s12 =	sand.u32 $0x1, s5  }
0x26: {  	s0 =	sshll.u32 s12, $0xE  }
0x27: {  	s0 =	sor.u32 $0x8000, s0  }
0x28: {  	[dreg:$0x8] =	wrdreg s5;
	v0 =	vmov s0  }
0x29: {  	[dreg:$0xe] =	wrdreg s12  }
0x2a: {  	s1 =	sor.u32 $0x10, s11;
	[dreg:$0xd] =	wrdreg s0;
	s0 =	simm.f32 $0.0e+00;
	v2, _, _ =	vpop (xrf2)  }
0x2b: {  	s13 =	sor.u32 $0x20, s11;
	v3 =	vld.idx.msk [tilespmem:v1+s1+$0x0 ss:$0x1], $0xffff;
	v2 =	vadd.f32 s0, v2  }
0x2c: {  	s14 =	sor.u32 $0x30, s11;
	v4 =	vld.idx.msk [tilespmem:v1+s13+$0x0 ss:$0x1], $0xffff  }
0x2d: {  	s15 =	sor.u32 $0x80, s11;
	v5 =	vld.idx.msk [tilespmem:v1+s14+$0x0 ss:$0x1], $0xffff;
	[tilespmem:v0+s11+$0x0 ss:$0x1] =	vst.idx.msk $0xffff, v2  }
0x2e: {  	v6 =	vld.idx.msk [tilespmem:v1+s15+$0x0 ss:$0x1], $0xffff;
	_ =	sdelay $0x1  }
0x2f: {  	(xrf2) =	vadd.scan.msk.f32 $0xffff, v3  }
0x30: {  	(xrf2) =	vadd.scan.msk.f32 $0xffff, v4  }
0x31: {  	(xrf2) =	vadd.scan.msk.f32 $0xffff, v5  }
0x32: {  	(xrf2) =	vadd.scan.msk.f32 $0xffff, v6;
	_ =	sdelay $0x5  }
0x33: {  	v2 =	vbroadcast v2, $0xF  }
0x34: {  	v3, _, _ =	vpop (xrf2)  }
0x35: {  	v2 =	vadd.f32 v3, v2;
	v3, _, _ =	vpop (xrf2)  }
0x36: {  	p2 =	por $0x0, $0x0;
	s7 =	simm.s32 $0x100;
	s6 =	simm.s32 $0x1;
	v4, _, _ =	vpop (xrf2)  }
0x37: {  	s8 =	simm.s32 $0x40;
	s6 =	simm.s32 @!p2 $0x0;
	s9 =	sor.u32 $0x90, s11;
	[tilespmem:v0+s1+$0x0 ss:$0x1] =	vst.idx.msk $0xffff, v2;
	v2 =	vbroadcast v2, $0xF;
	v5, _, _ =	vpop (xrf2)  }
0x38: {  	s19 =	sand.u32 $0x40, s8;
	s7 =	sand.u32 $0x3E00, s7;
	s18 =	sshll.u32 s6, $0x6;
	v6 =	vld.idx.msk [tilespmem:v1+s9+$0x0 ss:$0x1], $0xffff;
	v5 =	vadd.f32 s0, v5  }
0x39: {  	s20 =	sadd.s32 $0x0, s18;
	s1 =	sor.u32 s19, s7;
	v2 =	vadd.f32 v3, v2  }
0x3a: {  	s22 =	sor.u32 $0x100, s20;
	v3 =	vld.idx.msk [tilespmem:v1+s1+$0x0 ss:$0x1], $0xffff;
	[tilespmem:v0+s15+$0x0 ss:$0x1] =	vst.idx.msk $0xffff, v5  }
0x3b: {  	s23 =	sor.u32 $0xA0, s11;
	[tilespmem:v0+s13+$0x0 ss:$0x1] =	vst.idx.msk $0xffff, v2;
	v7 =	vld.idx.msk [tilespmem:v1+s22+$0x0 ss:$0x1], $0xffff  }
0x3c: {  	v2 =	vbroadcast v2, $0xF;
	v8 =	vld.idx.msk [tilespmem:v1+s23+$0x0 ss:$0x1], $0xffff  }
0x3d: {  	(xrf2) =	vadd.scan.msk.f32 $0xffff, v6  }
0x3e: {  	v2 =	vadd.f32 v4, v2  }
0x3f: {  	(xrf2) =	vadd.scan.msk.f32 $0xffff, v3  }
0x40: {  	s2 =	sor.u32 $0xB0, s11;
	[tilespmem:v0+s14+$0x0 ss:$0x1] =	vst.idx.msk $0xffff, v2;
	(v2sf) =	vpush v2, $0xF;
	(xrf2) =	vadd.scan.msk.f32 $0xffff, v7  }
0x41: {  	v2 =	vld.idx.msk [tilespmem:v1+s2+$0x0 ss:$0x1], $0xffff;
	(xrf2) =	vadd.scan.msk.f32 $0xffff, v8;
	_ =	sdelay $0x4  }
0x42: {  	(xrf2) =	vadd.scan.msk.f32 $0xffff, v2;
	v2 =	vbroadcast v5, $0xF  }
0x43: {  	v3, _, _ =	vpop (xrf2)  }
0x44: {  	v2 =	vadd.f32 v3, v2  }
0x45: {  	v3, _, _ =	vpop (xrf2)  }
0x46: {  	v5 =	vbroadcast v2, $0xF;
	v4, _, _ =	vpop (xrf2)  }
0x47: {  	s11 =	sor.u32 $0x10, s1;
	v6, _, _ =	vpop (xrf2)  }
0x48: {  	v5 =	vadd.f32 v6, v5;
	v6 =	vld.idx.msk [tilespmem:v1+s11+$0x0 ss:$0x1], $0xffff  }
0x49: {  	s3 =	sor.u32 $0x20, s1  }
0x4a: {  	s25 =	sor.u32 $0x30, s1;
	v8 =	vld.idx.msk [tilespmem:v1+s3+$0x0 ss:$0x1], $0xffff  }
0x4b: {  	v10 =	vld.idx.msk [tilespmem:v1+s25+$0x0 ss:$0x1], $0xffff;
	s24 =	spop (v2sf);
	v7 =	vbroadcast v5, $0xF  }
0x4c: {  	s12 =	sadd.s32 $0x10, s20;
	v3 =	vadd.f32 s24, v3;
	v9, _, _ =	vpop (xrf2)  }
0x4d: {  	s15 =	sor.u32 $0x100, s12;
	[tilespmem:v0+s9+$0x0 ss:$0x1] =	vst.idx.msk $0xffff, v2;
	v2 =	vadd.f32 v9, v7;
	(xrf2) =	vadd.scan.msk.f32 $0xffff, v6  }
0x4e: {  	s18 =	sor.u32 $0x80, s1;
	[tilespmem:v0+s1+$0x0 ss:$0x1] =	vst.idx.msk $0xffff, v3;
	v7 =	vld.idx.msk [tilespmem:v1+s15+$0x0 ss:$0x1], $0xffff  }
0x4f: {  	v6 =	vld.idx.msk [tilespmem:v1+s18+$0x0 ss:$0x1], $0xffff;
	(v2sf) =	vpush v2, $0xF;
	(xrf2) =	vadd.scan.msk.f32 $0xffff, v8  }
0x50: {  	(xrf2) =	vadd.scan.msk.f32 $0xffff, v10  }
0x51: {  	v4 =	vadd.f32 s0, v4;
	_ =	sdelay $0x1  }
0x52: {  	s26 =	sadd.s32 $0x20, s20;
	s19 =	sor.u32 $0x180, s20;
	[tilespmem:v0+s22+$0x0 ss:$0x1] =	vst.idx.msk $0xffff, v4;
	(xrf2) =	vadd.scan.msk.f32 $0xffff, v7  }
0x53: {  	s10 =	sor.u32 $0x100, s26;
	[tilespmem:v0+s23+$0x0 ss:$0x1] =	vst.idx.msk $0xffff, v5;
	v5 =	vld.idx.msk [tilespmem:v1+s19+$0x0 ss:$0x1], $0xffff;
	(xrf2) =	vadd.scan.msk.f32 $0xffff, v6  }
0x54: {  	v6 =	vld.idx.msk [tilespmem:v1+s10+$0x0 ss:$0x1], $0xffff  }
0x55: {  	v3 =	vbroadcast v3, $0xF  }
0x56: {  	s22 =	sadd.s32 $0x30, s20;
	v7, _, _ =	vpop (xrf2)  }
0x57: {  	s13 =	sor.u32 $0x100, s22;
	[tilespmem:v0+s2+$0x0 ss:$0x1] =	vst.idx.msk $0xffff, v2;
	v2 =	vadd.f32 v7, v3  }
0x58: {  	(xrf2) =	vadd.scan.msk.f32 $0xffff, v5;
	v3 =	vld.idx.msk [tilespmem:v1+s13+$0x0 ss:$0x1], $0xffff;
	v7, _, _ =	vpop (xrf2)  }
0x59: {  	v8, _, _ =	vpop (xrf2);
	(xrf2) =	vadd.scan.msk.f32 $0xffff, v6;
	v5 =	vbroadcast v2, $0xF  }
0x5a: {  	s4 =	simm.s32 $0x1  }
0x5b: {  	s8 =	simm.s32 $0x200;
	p2 =	por !p2, !p2;
	s9 =	simm.s32 $0x80;
	v4 =	vbroadcast v4, $0xF  }
0x5c: {  	s14 =	sor.u32 $0x90, s1;
	s24 =	sand.u32 $0x3E00, s8;
	s23 =	sand.u32 $0x40, s9;
	[tilespmem:v0+s11+$0x0 ss:$0x1] =	vst.idx.msk $0xffff, v2;
	v2, _, _ =	vpop (xrf2)  }
0x5d: {  	s4 =	simm.s32 @!p2 $0x0;
	s23 =	sor.u32 s23, s24;
	v6 =	vld.idx.msk [tilespmem:v1+s14+$0x0 ss:$0x1], $0xffff;
	s20 =	spop (v2sf);
	v2 =	vadd.f32 v2, v4;
	v4 =	vadd.f32 v7, v5;
	(xrf2) =	vadd.scan.msk.f32 $0xffff, v3;
	v5, _, _ =	vpop (xrf2)  }
0x5e: {  	s4 =	sshll.u32 s4, $0x6;
	v7 =	vld.idx.msk [tilespmem:v1+s23+$0x0 ss:$0x1], $0xffff;
	v5 =	vadd.f32 s20, v5  }
0x5f: {  	s4 =	sadd.s32 $0x100, s4;
	s12 =	sor.u32 $0x180, s12;
	[tilespmem:v0+s15+$0x0 ss:$0x1] =	vst.idx.msk $0xffff, v2  }
0x60: {  	s11 =	sor.u32 $0x100, s4;
	v9 =	vld.idx.msk [tilespmem:v1+s12+$0x0 ss:$0x1], $0xffff;
	[tilespmem:v0+s18+$0x0 ss:$0x1] =	vst.idx.msk $0xffff, v5  }
0x61: {  	v3 =	vbroadcast v4, $0xF;
	[tilespmem:v0+s3+$0x0 ss:$0x1] =	vst.idx.msk $0xffff, v4;
	v4 =	vld.idx.msk [tilespmem:v1+s11+$0x0 ss:$0x1], $0xffff  }
0x62: {  	v2 =	vbroadcast v2, $0xF;
	(xrf2) =	vadd.scan.msk.f32 $0xffff, v6;
	v6, _, _ =	vpop (xrf2)  }
0x63: {  	(xrf2) =	vadd.scan.msk.f32 $0xffff, v7;
	v7, _, _ =	vpop (xrf2)  }
0x64: {  	v2 =	vadd.f32 v7, v2  }
0x65: {  	s2 =	sor.u32 $0xA0, s1;
	v3 =	vadd.f32 v8, v3;
	(xrf2) =	vadd.scan.msk.f32 $0xffff, v9  }
0x66: {  	v8 =	vld.idx.msk [tilespmem:v1+s2+$0x0 ss:$0x1], $0xffff;
	(xrf2) =	vadd.scan.msk.f32 $0xffff, v4;
	v4 =	vbroadcast v2, $0xF  }
0x67: {  	(v2sf) =	vpush v3, $0xF;
	v7, _, _ =	vpop (xrf2)  }
0x68: {  	v7 =	vadd.f32 v7, v4  }
0x69: {  	s5 =	sor.u32 $0xB0, s1;
	[tilespmem:v0+s25+$0x0 ss:$0x1] =	vst.idx.msk $0xffff, v3  }
0x6a: {  	v3 =	vld.idx.msk [tilespmem:v1+s5+$0x0 ss:$0x1], $0xffff;
	(v2sf) =	vpush v7, $0xF  }
0x6b: {  	(xrf2) =	vadd.scan.msk.f32 $0xffff, v8  }
0x6c: {  	s28 =	sor.u32 $0x180, s26;
	[tilespmem:v0+s10+$0x0 ss:$0x1] =	vst.idx.msk $0xffff, v2  }
0x6d: {  	v9 =	vld.idx.msk [tilespmem:v1+s28+$0x0 ss:$0x1], $0xffff;
	[tilespmem:v0+s13+$0x0 ss:$0x1] =	vst.idx.msk $0xffff, v7  }
0x6e: {  	s25 =	sadd.s32 s17, s21;
	[dreg:$0xc] =	wrdreg s21  }
0x6f: {  	s29 =	sor.u32 $0x180, s22;
	(xrf2) =	vadd.scan.msk.f32 $0xffff, v3;
	[dreg:$0xf] =	wrdreg s25  }
0x70: {  	v2 =	vbroadcast v5, $0xF;
	v8 =	vadd.f32 s0, v6;
	v4, _, _ =	vpop (xrf2);
	v11 =	vld.idx.msk [tilespmem:v1+s29+$0x0 ss:$0x1], $0xffff  }
0x71: {  	p2 =	por !p2, !p2;
	s1 =	simm.s32 $0x1;
	v5, _, _ =	vpop (xrf2)  }
0x72: {  	s31 =	sadd.s32 $0x20, s4;
	s7 =	sor.u32 $0x10, s23;
	s1 =	simm.s32 @!p2 $0x0;
	v10 =	vadd.f32 v4, v2;
	v4 =	vbroadcast v8, $0xF;
	v6, _, _ =	vpop (xrf2);
	(xrf2) =	vadd.scan.msk.f32 $0xffff, v9  }
0x73: {  	s30 =	sadd.s32 $0x30, s4;
	s26 =	sshll.u32 s1, $0x6;
	s0 =	sor.u32 $0x30, s23;
	[tilespmem:v0+s19+$0x0 ss:$0x1] =	vst.idx.msk $0xffff, v8;
	v8 =	vld.idx.msk [tilespmem:v1+s7+$0x0 ss:$0x1], $0xffff  }
0x74: {  	s6 =	sor.u32 $0x20, s23;
	s26 =	sadd.s32 $0x200, s26;
	s3 =	sadd.s32 $0x10, s4;
	v2 =	vld.idx.msk [tilespmem:v1+s0+$0x0 ss:$0x1], $0xffff;
	[tilespmem:v0+s14+$0x0 ss:$0x1] =	vst.idx.msk $0xffff, v10;
	v10 =	vbroadcast v10, $0xF;
	v4 =	vadd.f32 v6, v4;
	v6, _, _ =	vpop (xrf2)  }
0x75: {  	s24 =	sadd.s32 $0x20, s26;
	s22 =	sadd.s32 $0x30, s26;
	s1 =	sor.u32 $0x100, s3;
	v7 =	vld.idx.msk [tilespmem:v1+s6+$0x0 ss:$0x1], $0xffff;
	v9, _, _ =	vpop (xrf2);
	(xrf2) =	vadd.scan.msk.f32 $0xffff, v11  }
0x76: {  	s10 =	simm.s32 $0x8;
	s25 =	sadd.s32 $0x10, s26;
	v3 =	vld.idx.msk [tilespmem:v1+s1+$0x0 ss:$0x1], $0xffff;
	[tilespmem:v0+s12+$0x0 ss:$0x1] =	vst.idx.msk $0xffff, v4;
	s12 =	spop (v2sf);
	v9 =	vadd.f32 v9, v10  }
.LBB2_3:
0x77: {  	s10 =	sadd.s32 $0x4, s10  }
0x78: {  	s19 =	sor.u32 $0x100, s31;
	p3 =	slt.u32 s10, $0xFC;
	(xrf2) =	vadd.scan.msk.f32 $0xffff, v8;
	[tilespmem:v0+s2+$0x0 ss:$0x1] =	vst.idx.msk $0xffff, v9;
	v8 =	vbroadcast v9, $0xF  }
0x79: {  	p2 =	por !p2, !p2;
	s13 =	simm.s32 $0x1;
	v9 =	vld.idx.msk [tilespmem:v1+s19+$0x0 ss:$0x1], $0xffff;
	v10, _, _ =	vpop (xrf2);
	s2 =	spop (v2sf)  }
0x7a: {  	s21 =	sor.u32 $0x100, s30;
	s13 =	simm.s32 @!p2 $0x0;
	v6 =	vadd.f32 s2, v6;
	v10 =	vadd.f32 v10, v8  }
0x7b: {  	v5 =	vadd.f32 s12, v5;
	s8 =	sadd.s32 $0x100, s8;
	s9 =	sadd.s32 $0x40, s9;
	v4 =	vbroadcast v4, $0xF;
	s2 =	sshll.u32 s13, $0x6;
	(xrf2) =	vadd.scan.msk.f32 $0xffff, v7  }
0x7c: {  	s12 =	sand.u32 $0x40, s9;
	s13 =	sand.u32 $0x3E00, s8;
	s2 =	sadd.s32 s2, s8;
	v7 =	vbroadcast v6, $0xF;
	[tilespmem:v0+s5+$0x0 ss:$0x1] =	vst.idx.msk $0xffff, v10;
	(v2sf) =	vpush v10, $0xF;
	v8, _, _ =	vpop (xrf2)  }
0x7d: {  	s15 =	sor.u32 s12, s13;
	s17 =	sadd.s32 $0x10, s2;
	s5 =	sor.u32 $0x80, s23;
	[tilespmem:v0+s23+$0x0 ss:$0x1] =	vst.idx.msk $0xffff, v5;
	v5 =	vbroadcast v5, $0xF;
	v10 =	vld.idx.msk [tilespmem:v1+s21+$0x0 ss:$0x1], $0xffff;
	v4 =	vadd.f32 v8, v4  }
0x7e: {  	s18 =	sor.u32 $0x180, s4;
	s12 =	sadd.s32 $0x20, s2;
	s20 =	sadd.s32 $0x30, s2;
	v8 =	vld.idx.msk [tilespmem:v1+s5+$0x0 ss:$0x1], $0xffff;
	(xrf2) =	vadd.scan.msk.f32 $0xffff, v2;
	[tilespmem:v0+s11+$0x0 ss:$0x1] =	vst.idx.msk $0xffff, v6  }
0x7f: {  	s4 =	smov.u32 s26;
	s26 =	smov.u32 s2;
	v2 =	vld.idx.msk [tilespmem:v1+s18+$0x0 ss:$0x1], $0xffff;
	[tilespmem:v0+s28+$0x0 ss:$0x1] =	vst.idx.msk $0xffff, v4;
	v11 =	vbroadcast v4, $0xF;
	v6, _, _ =	vpop (xrf2);
	_ =	sdelay $0x1  }
0x80: {  	(xrf2) =	vadd.scan.msk.f32 $0xffff, v3;
	v3 =	vadd.f32 v6, v11  }
0x81: {  	v4, _, _ =	vpop (xrf2)  }
0x82: {  	v4 =	vadd.f32 v4, v5;
	[tilespmem:v0+s29+$0x0 ss:$0x1] =	vst.idx.msk $0xffff, v3;
	(v2sf) =	vpush v3, $0xF  }
0x83: {  	(xrf2) =	vadd.scan.msk.f32 $0xffff, v8  }
0x84: {  	[tilespmem:v0+s7+$0x0 ss:$0x1] =	vst.idx.msk $0xffff, v4;
	s7 =	sor.u32 $0x10, s15;
	v3, _, _ =	vpop (xrf2)  }
0x85: {  	s13 =	sor.u32 $0x90, s23;
	v4 =	vbroadcast v4, $0xF  }
0x86: {  	v5 =	vld.idx.msk [tilespmem:v1+s13+$0x0 ss:$0x1], $0xffff;
	(xrf2) =	vadd.scan.msk.f32 $0xffff, v2  }
0x87: {  	v2, _, _ =	vpop (xrf2);
	_ =	sdelay $0x1  }
0x88: {  	v6 =	vld.idx.msk [tilespmem:v1+s15+$0x0 ss:$0x1], $0xffff;
	(xrf2) =	vadd.scan.msk.f32 $0xffff, v9  }
0x89: {  	v8, _, _ =	vpop (xrf2);
	s2 =	spop (v2sf)  }
0x8a: {  	v7 =	vadd.f32 v8, v7  }
0x8b: {  	s11 =	sor.u32 $0x20, s15;
	v3 =	vadd.f32 v3, v4;
	(xrf2) =	vadd.scan.msk.f32 $0xffff, v10  }
0x8c: {  	s14 =	sor.u32 $0x180, s3;
	s3 =	smov.u32 s25;
	s25 =	smov.u32 s17;
	v4, _, _ =	vpop (xrf2);
	[tilespmem:v0+s1+$0x0 ss:$0x1] =	vst.idx.msk $0xffff, v7  }
0x8d: {  	v4 =	vadd.f32 s2, v4;
	[tilespmem:v0+s6+$0x0 ss:$0x1] =	vst.idx.msk $0xffff, v3;
	s2 =	sor.u32 $0xA0, s23;
	v3 =	vbroadcast v3, $0xF;
	v8 =	vld.idx.msk [tilespmem:v1+s14+$0x0 ss:$0x1], $0xffff;
	s6 =	smov.u32 s11  }
0x8e: {  	v9 =	vld.idx.msk [tilespmem:v1+s2+$0x0 ss:$0x1], $0xffff;
	(xrf2) =	vadd.scan.msk.f32 $0xffff, v5  }
0x8f: {  	s11 =	sor.u32 $0x100, s4;
	[tilespmem:v0+s5+$0x0 ss:$0x1] =	vst.idx.msk $0xffff, v4;
	v3 =	vadd.f32 v2, v3;
	v5, _, _ =	vpop (xrf2)  }
0x90: {  	s1 =	sor.u32 $0x30, s15;
	v10 =	vld.idx.msk [tilespmem:v1+s11+$0x0 ss:$0x1], $0xffff;
	s17 =	spop (v2sf)  }
0x91: {  	s5 =	sor.u32 $0xB0, s23;
	s23 =	smov.u32 s15;
	v2 =	vld.idx.msk [tilespmem:v1+s1+$0x0 ss:$0x1], $0xffff;
	(xrf2) =	vadd.scan.msk.f32 $0xffff, v6;
	[tilespmem:v0+s0+$0x0 ss:$0x1] =	vst.idx.msk $0xffff, v3;
	(v2sf) =	vpush v3, $0xF;
	v3 =	vbroadcast v7, $0xF;
	s0 =	smov.u32 s1  }
0x92: {  	v11 =	vadd.f32 s17, v5;
	v6 =	vld.idx.msk [tilespmem:v1+s5+$0x0 ss:$0x1], $0xffff;
	v7, _, _ =	vpop (xrf2)  }
0x93: {  	v3 =	vadd.f32 v7, v3  }
0x94: {  	v7 =	vbroadcast v11, $0xF;
	[tilespmem:v0+s18+$0x0 ss:$0x1] =	vst.idx.msk $0xffff, v11;
	(xrf2) =	vadd.scan.msk.f32 $0xffff, v8  }
0x95: {  	s28 =	sor.u32 $0x180, s31;
	s31 =	smov.u32 s24;
	s24 =	smov.u32 s12;
	[tilespmem:v0+s19+$0x0 ss:$0x1] =	vst.idx.msk $0xffff, v3;
	v3 =	vbroadcast v3, $0xF;
	v5, _, _ =	vpop (xrf2)  }
0x96: {  	v11 =	vld.idx.msk [tilespmem:v1+s28+$0x0 ss:$0x1], $0xffff  }
0x97: {  	v4 =	vbroadcast v4, $0xF;
	(xrf2) =	vadd.scan.msk.f32 $0xffff, v10;
	v3 =	vadd.f32 v5, v3  }
0x98: {  	v5, _, _ =	vpop (xrf2)  }
0x99: {  	s29 =	sor.u32 $0x180, s30;
	s30 =	smov.u32 s22;
	s22 =	smov.u32 s20;
	v10 =	vadd.f32 v5, v4;
	[tilespmem:v0+s21+$0x0 ss:$0x1] =	vst.idx.msk $0xffff, v3;
	(v2sf) =	vpush v3, $0xF  }
0x9a: {  	(xrf2) =	vadd.scan.msk.f32 $0xffff, v9;
	v9 =	vld.idx.msk [tilespmem:v1+s29+$0x0 ss:$0x1], $0xffff  }
0x9b: {  	s1 =	sor.u32 $0x100, s3;
	v5, _, _ =	vpop (xrf2);
	[tilespmem:v0+s13+$0x0 ss:$0x1] =	vst.idx.msk $0xffff, v10  }
0x9c: {  	v3 =	vld.idx.msk [tilespmem:v1+s1+$0x0 ss:$0x1], $0xffff;
	_ =	sdelay $0x1  }
0x9d: {  	(xrf2) =	vadd.scan.msk.f32 $0xffff, v6;
	v4, _, _ =	vpop (xrf2)  }
0x9e: {  	v4 =	vadd.f32 v4, v7  }
0x9f: {  	v8 =	vld.idx.msk [tilespmem:v1+s7+$0x0 ss:$0x1], $0xffff;
	s12 =	spop (v2sf)  }
.Ltmp0:
0xa0: {  	v6, _, _ =	vpop (xrf2);
	[tilespmem:v0+s14+$0x0 ss:$0x1] =	vst.idx.msk $0xffff, v4;
	(xrf2) =	vadd.scan.msk.f32 $0xffff, v11;
	(pc) =	sbr.rel @p3 .LBB2_3-.Ltmp0, $4  }
0xa1: {  	_ = 	snop  }
0xa2: {  	v10 =	vbroadcast v10, $0xF  }
0xa3: {  	v7 =	vld.idx.msk [tilespmem:v1+s6+$0x0 ss:$0x1], $0xffff;
	v11, _, _ =	vpop (xrf2);
	(xrf2) =	vadd.scan.msk.f32 $0xffff, v9  }
0xa4: {  	v9 =	vadd.f32 v11, v10  }
0xa5: {  	_ =	sdelay $0x1  }
0xa6: {  	v5 =	vadd.f32 s12, v5;
	s8 =	spop (v2sf)  }
0xa7: {  	v6 =	vadd.f32 s8, v6  }
0xa8: {  	s9 =	sor.u32 $0x80, s23;
	[tilespmem:v0+s23+$0x0 ss:$0x1] =	vst.idx.msk $0xffff, v5  }
0xa9: {  	(xrf2) =	vadd.scan.msk.f32 $0xffff, v8;
	s4 =	sor.u32 $0x180, s4;
	v19 =	vld.idx.msk [tilespmem:v1+s9+$0x0 ss:$0x1], $0xffff;
	[tilespmem:v0+s11+$0x0 ss:$0x1] =	vst.idx.msk $0xffff, v6  }
0xaa: {  	s18 =	sor.u32 $0x100, s31;
	[tilespmem:v0+s2+$0x0 ss:$0x1] =	vst.idx.msk $0xffff, v9;
	v20 =	vbroadcast v9, $0xF;
	(xrf2) =	vadd.scan.msk.f32 $0xffff, v7;
	v21 =	vld.idx.msk [tilespmem:v1+s4+$0x0 ss:$0x1], $0xffff  }
0xab: {  	v10 =	vld.idx.msk [tilespmem:v1+s18+$0x0 ss:$0x1], $0xffff;
	v11, _, _ =	vpop (xrf2);
	(xrf2) =	vadd.scan.msk.f32 $0xffff, v2  }
0xac: {  	v22 =	vadd.f32 v11, v20;
	(xrf2) =	vadd.scan.msk.f32 $0xffff, v3;
	_ =	sdelay $0x1  }
0xad: {  	s19 =	sor.u32 $0x100, s30;
	[tilespmem:v0+s5+$0x0 ss:$0x1] =	vst.idx.msk $0xffff, v22;
	(v2sf) =	vpush v22, $0xF;
	(xrf2) =	vadd.scan.msk.f32 $0xffff, v19  }
0xae: {  	v23 =	vld.idx.msk [tilespmem:v1+s19+$0x0 ss:$0x1], $0xffff;
	(xrf2) =	vadd.scan.msk.f32 $0xffff, v21  }
0xaf: {  	(xrf2) =	vadd.scan.msk.f32 $0xffff, v10  }
0xb0: {  	v24, _, _ =	vpop (xrf2)  }
0xb1: {  	v25, _, _ =	vpop (xrf2)  }
0xb2: {  	v26, _, _ =	vpop (xrf2)  }
0xb3: {  	v5 =	vbroadcast v5, $0xF;
	v27, _, _ =	vpop (xrf2);
	(xrf2) =	vadd.scan.msk.f32 $0xffff, v23  }
0xb4: {  	v6 =	vbroadcast v6, $0xF;
	v28, _, _ =	vpop (xrf2)  }
0xb5: {  	v5 =	vadd.f32 v26, v5;
	v29, _, _ =	vpop (xrf2)  }
0xb6: {  	v4 =	vbroadcast v4, $0xF;
	v6 =	vadd.f32 v29, v6  }
0xb7: {  	v30 =	vbroadcast v5, $0xF;
	v31, _, _ =	vpop (xrf2)  }
0xb8: {  	v3 =	vadd.f32 v24, v4;
	v33 =	vbroadcast v6, $0xF;
	v32, _, _ =	vpop (xrf2)  }
0xb9: {  	v8 =	vadd.f32 v27, v30;
	v34, _, _ =	vpop (xrf2)  }
0xba: {  	v12 =	vbroadcast v3, $0xF;
	v9 =	vadd.f32 v34, v33  }
0xbb: {  	v35 =	vbroadcast v8, $0xF  }
0xbc: {  	s20 =	sor.u32 $0x90, s23;
	v7 =	vadd.f32 v25, v12;
	[tilespmem:v0+s7+$0x0 ss:$0x1] =	vst.idx.msk $0xffff, v5;
	s21 =	spop (v2sf);
	v36 =	vbroadcast v9, $0xF  }
0xbd: {  	v37 =	vld.idx.msk [tilespmem:v1+s20+$0x0 ss:$0x1], $0xffff;
	v2 =	vadd.f32 v28, v35;
	v10 =	vadd.f32 s21, v31;
	v38, _, _ =	vpop (xrf2)  }
0xbe: {  	(v2sf) =	vpush v7, $0xF;
	[tilespmem:v0+s1+$0x0 ss:$0x1] =	vst.idx.msk $0xffff, v6;
	s1 =	sor.u32 $0x180, s3;
	v5 =	vadd.f32 v38, v36  }
0xbf: {  	s7 =	sor.u32 $0x100, s26;
	v6 =	vld.idx.msk [tilespmem:v1+s1+$0x0 ss:$0x1], $0xffff;
	(v2sf) =	vpush v2, $0xF;
	[tilespmem:v0+s9+$0x0 ss:$0x1] =	vst.idx.msk $0xffff, v10  }
0xc0: {  	s10 =	sor.u32 $0xA0, s23;
	[tilespmem:v0+s6+$0x0 ss:$0x1] =	vst.idx.msk $0xffff, v8;
	v39 =	vld.idx.msk [tilespmem:v1+s7+$0x0 ss:$0x1], $0xffff;
	(v2sf) =	vpush v5, $0xF  }
0xc1: {  	v40 =	vld.idx.msk [tilespmem:v1+s10+$0x0 ss:$0x1], $0xffff  }
0xc2: {  	(xrf2) =	vadd.scan.msk.f32 $0xffff, v37;
	_ =	sdelay $0x1  }
0xc3: {  	s11 =	sor.u32 $0xB0, s23;
	[tilespmem:v0+s0+$0x0 ss:$0x1] =	vst.idx.msk $0xffff, v2;
	(xrf2) =	vadd.scan.msk.f32 $0xffff, v6  }
0xc4: {  	v2 =	vld.idx.msk [tilespmem:v1+s11+$0x0 ss:$0x1], $0xffff;
	(xrf2) =	vadd.scan.msk.f32 $0xffff, v39  }
0xc5: {  	(xrf2) =	vadd.scan.msk.f32 $0xffff, v40;
	_ =	sdelay $0x1  }
0xc6: {  	s12 =	sor.u32 $0x180, s31;
	[tilespmem:v0+s18+$0x0 ss:$0x1] =	vst.idx.msk $0xffff, v9  }
0xc7: {  	v41 =	vld.idx.msk [tilespmem:v1+s12+$0x0 ss:$0x1], $0xffff  }
0xc8: {  	(xrf2) =	vadd.scan.msk.f32 $0xffff, v2  }
0xc9: {  	v42 =	vbroadcast v10, $0xF  }
0xca: {  	s13 =	sor.u32 $0x180, s30;
	v43, _, _ =	vpop (xrf2);
	[tilespmem:v0+s19+$0x0 ss:$0x1] =	vst.idx.msk $0xffff, v5  }
0xcb: {  	s14 =	spop (v2sf);
	v5 =	vld.idx.msk [tilespmem:v1+s13+$0x0 ss:$0x1], $0xffff;
	v2 =	vadd.f32 v43, v42  }
0xcc: {  	(xrf2) =	vadd.scan.msk.f32 $0xffff, v41;
	v44, _, _ =	vpop (xrf2);
	s15 =	spop (v2sf)  }
0xcd: {  	s17 =	sor.u32 $0x100, s25;
	[tilespmem:v0+s20+$0x0 ss:$0x1] =	vst.idx.msk $0xffff, v2;
	v2 =	vbroadcast v2, $0xF;
	v45, _, _ =	vpop (xrf2);
	s9 =	spop (v2sf)  }
0xce: {  	v46 =	vld.idx.msk [tilespmem:v1+s17+$0x0 ss:$0x1], $0xffff;
	v47, _, _ =	vpop (xrf2);
	v6 =	vadd.f32 s9, v45  }
0xcf: {  	v4 =	vadd.f32 s14, v32;
	v2 =	vadd.f32 v47, v2  }
0xd0: {  	s18 =	sor.u32 $0x180, s26;
	(xrf2) =	vadd.scan.msk.f32 $0xffff, v5;
	[tilespmem:v0+s7+$0x0 ss:$0x1] =	vst.idx.msk $0xffff, v6  }
0xd1: {  	s19 =	sor.u32 $0x100, s24;
	v48 =	vbroadcast v4, $0xF;
	[tilespmem:v0+s10+$0x0 ss:$0x1] =	vst.idx.msk $0xffff, v2;
	v2 =	vbroadcast v2, $0xF;
	v49 =	vld.idx.msk [tilespmem:v1+s18+$0x0 ss:$0x1], $0xffff  }
0xd2: {  	v51, _, _ =	vpop (xrf2);
	v50 =	vld.idx.msk [tilespmem:v1+s19+$0x0 ss:$0x1], $0xffff  }
0xd3: {  	v5 =	vadd.f32 v44, v48;
	(xrf2) =	vadd.scan.msk.f32 $0xffff, v46;
	v2 =	vadd.f32 v51, v2;
	_ =	sdelay $0x1  }
0xd4: {  	s20 =	sor.u32 $0x100, s22;
	v8 =	vbroadcast v5, $0xF;
	[tilespmem:v0+s11+$0x0 ss:$0x1] =	vst.idx.msk $0xffff, v2  }
0xd5: {  	v52, _, _ =	vpop (xrf2);
	v53 =	vld.idx.msk [tilespmem:v1+s20+$0x0 ss:$0x1], $0xffff;
	(xrf2) =	vadd.scan.msk.f32 $0xffff, v49  }
0xd6: {  	v8 =	vadd.f32 v52, v8;
	(xrf2) =	vadd.scan.msk.f32 $0xffff, v50;
	_ =	sdelay $0x1  }
0xd7: {  	v9 =	vbroadcast v8, $0xF  }
0xd8: {  	v54, _, _ =	vpop (xrf2)  }
0xd9: {  	v9 =	vadd.f32 v54, v9;
	(xrf2) =	vadd.scan.msk.f32 $0xffff, v53  }
0xda: {  	v6 =	vbroadcast v6, $0xF;
	(v2sf) =	vpush v2, $0xF  }
0xdb: {  	(v2sf) =	vpush v9, $0xF;
	v55, _, _ =	vpop (xrf2)  }
0xdc: {  	v2 =	vadd.f32 v55, v6;
	_ =	sdelay $0x1  }
0xdd: {  	s21 =	sor.u32 $0x180, s25;
	[tilespmem:v0+s17+$0x0 ss:$0x1] =	vst.idx.msk $0xffff, v2;
	v2 =	vbroadcast v2, $0xF;
	v56, _, _ =	vpop (xrf2)  }
0xde: {  	v57 =	vld.idx.msk [tilespmem:v1+s21+$0x0 ss:$0x1], $0xffff;
	v11, _, _ =	vpop (xrf2)  }
0xdf: {  	v2 =	vadd.f32 v11, v2;
	_ =	sdelay $0x1  }
0xe0: {  	s23 =	sor.u32 $0x180, s24;
	[tilespmem:v0+s19+$0x0 ss:$0x1] =	vst.idx.msk $0xffff, v2;
	v2 =	vbroadcast v2, $0xF  }
0xe1: {  	v58, _, _ =	vpop (xrf2);
	v59 =	vld.idx.msk [tilespmem:v1+s23+$0x0 ss:$0x1], $0xffff  }
0xe2: {  	(xrf2) =	vadd.scan.msk.f32 $0xffff, v57;
	v2 =	vadd.f32 v58, v2;
	_ =	sdelay $0x1  }
0xe3: {  	s24 =	sor.u32 $0x180, s22;
	[tilespmem:v0+s20+$0x0 ss:$0x1] =	vst.idx.msk $0xffff, v2  }
0xe4: {  	v60 =	vld.idx.msk [tilespmem:v1+s24+$0x0 ss:$0x1], $0xffff  }
0xe5: {  	(xrf2) =	vadd.scan.msk.f32 $0xffff, v59  }
0xe6: {  	s25 =	spop (v2sf)  }
0xe7: {  	s8 =	spop (v2sf)  }
0xe8: {  	v6 =	vadd.f32 s8, v56  }
0xe9: {  	(xrf2) =	vadd.scan.msk.f32 $0xffff, v60  }
0xea: {  	v61 =	vbroadcast v6, $0xF  }
0xeb: {  	v10, _, _ =	vpop (xrf2)  }
0xec: {  	v1 =	vadd.f32 v10, v61;
	_ =	sdelay $0x1  }
0xed: {  	v10 =	vbroadcast v1, $0xF  }
0xee: {  	v62, _, _ =	vpop (xrf2)  }
0xef: {  	v10 =	vadd.f32 v62, v10;
	_ =	sdelay $0x1  }
0xf0: {  	v11 =	vbroadcast v10, $0xF  }
0xf1: {  	v63, _, _ =	vpop (xrf2)  }
0xf2: {  	v11 =	vadd.f32 v63, v11  }
0xf3: {  	(v2sf) =	vpush v2, $0xF  }
0xf4: {  	(v2sf) =	vpush v11, $0xF;
	_ =	sdelay $0x4  }
0xf5: {  	[tilespmem:v0+s28+$0x0 ss:$0x1] =	vst.idx.msk $0xffff, v3  }
0xf6: {  	[tilespmem:v0+s29+$0x0 ss:$0x1] =	vst.idx.msk $0xffff, v7  }
0xf7: {  	[tilespmem:v0+s4+$0x0 ss:$0x1] =	vst.idx.msk $0xffff, v4  }
0xf8: {  	[tilespmem:v0+s1+$0x0 ss:$0x1] =	vst.idx.msk $0xffff, v5  }
0xf9: {  	[tilespmem:v0+s12+$0x0 ss:$0x1] =	vst.idx.msk $0xffff, v8  }
0xfa: {  	[tilespmem:v0+s13+$0x0 ss:$0x1] =	vst.idx.msk $0xffff, v9  }
0xfb: {  	[tilespmem:v0+s18+$0x0 ss:$0x1] =	vst.idx.msk $0xffff, v6  }
0xfc: {  	[tilespmem:v0+s21+$0x0 ss:$0x1] =	vst.idx.msk $0xffff, v1  }
0xfd: {  	[tilespmem:v0+s23+$0x0 ss:$0x1] =	vst.idx.msk $0xffff, v10  }
0xfe: {  	p2 =	seq.s32 s16, $0x3F;
	s26 =	spop (v2sf);
	s0 =	rddreg [dreg:$0xf]  }
0xff: {  	p1 =	por p2, p1;
	s1 =	rddreg [dreg:$0xc];
	[tilespmem:v0+s24+$0x0 ss:$0x1] =	vst.idx.msk $0xffff, v11;
	s28 =	spop (v2sf)  }
0x100: {  	s0 =	sshll.u32 @p1 s0, $0xE;
	s1 =	sshll.u32 @p1 s1, $0x9;
	_ =	strace $0x9000004B  }
0x101: {  	s0 =	sand.u32 @p1 $0xFFFF8000, s0;
	s1 =	sand.u32 @p1 $0x200, s1;
	_ =	strace @p1 $0x8000004C  }
0x102: {  	s0 =	sor.u32 @p1 s1, s0;
	s1 =	rddreg [dreg:$0xe]  }
0x103: {  	s2 =	rddreg [dreg:$0x1]  }
0x104: {  	s3 =	simm.s32 @p1 $0x400;
	s0 =	sshrl.u32 @p1 s0, $0x3;
	s4 =	rddreg [dreg:$0xd]  }
0x105: {  	s1 =	sadd.s32 @p1 $0x3, s1;
	s0 =	sadd.s32 @p1 s2, s0;
	s2 =	simm.s32 @p1 $0x200  }
0x106: {  	[hbm4b:s0+s2] =	stream.strided.scatter @p1 [tilespmem:s4], [sflag:s1], $0x4000, s3, s2, $0x200038;
	[tilespmem:$0x10000] =	vst v63  }
0x107: {  	_ =	strace @p1 $0x9000004C  }
0x108: {  	p2 =	seq.s32 s16, $0x0;
	s2 =	rddreg [dreg:$0x7]  }
0x109: {  	s0 =	sand.u32 @!p2 $0x1, s2  }
0x10a: {  	_ =	strace @!p2 $0x8000004D;
	s0 =	sadd.s32 @!p2 $0x3, s0  }
0x10b: {  	s1 =	simm.s32 $0x1;
	_ =	swait.ge @!p2 [sflag:s0], $0x4000  }
0x10c: {  	s1 =	simm.s32 @!p0 $0x0;
	p0 =	sne.s32 s16, $0x0;
	[sflag:s0] =	ssyncset.done @!p2 $0x0  }
0x10d: {  	s16 =	sadd.s32 $0x1, s16;
	[sflag:s0] =	ssyncadd.s32 @!p2 $0xFFFFC000;
	s0 =	simm.s32 $0x1  }
0x10e: {  	s0 =	simm.s32 @!p0 $0x0;
	p0 =	sne.s32 s16, $0x40  }
.Ltmp1:
0x10f: {  	s29 =	rddreg [dreg:$0xa];
	(pc) =	sbr.rel @p0 .LBB2_2-.Ltmp1, $4  }
0x110: {  	s30 =	rddreg [dreg:$0x8]  }
0x111: {  	s31 =	rddreg [dreg:$0x9];
	s3 =	sadd.s32 s1, s29;
	s1 =	simm.s32 $0x1  }
0x112: {  	s1 =	simm.s32 @!p1 $0x0;
	_ =	strace @!p2 $0x9000004D;
	s2 =	sadd.s32 s0, s2  }
0x113: {  	s5 =	sadd.s32 s1, s30;
	s6 =	sadd.s32 s1, s31;
	s21 =	rddreg [dreg:$0xb]  }
0x114: {  	_ =	strace $0x8000004E;
	s0 =	simm.s32 $0x4  }
0x115: {  	_ =	swait.ge [sflag:s0], $0x4000  }
0x116: {  	s1 =	rddreg [dreg:$0x6]  }
0x117: {  	s31 =	rddreg [dreg:$0x5];
	s1 =	sadd.s32 $0x1, s1  }
0x118: {  	p0 =	sne.s32 s1, s31  }
.Ltmp2:
0x119: {  	_ = 	snop;
	(pc) =	sbr.rel @p0 .LBB2_1-.Ltmp2, $4  }
0x11a: {  	_ = 	snop  }
0x11b: {  	[sflag:s0] =	ssyncset.done $0x0  }
0x11c: {  	[sflag:s0] =	ssyncadd.s32 $0xFFFFC000  }
0x11d: {  	_ =	strace $0x9000004E  }
0x11e: {  	_ =	sfence.sel $0x180000  }
0x11f: {  	[bflag:$0x0] =	sbarrier.arrive $0xFFFF  }
0x120: {  	_ =	strace $0x90000047  }
0x121: {  	s0 =	stileid.u32;
	[bflag:$0x2] =	sbarrier.arrive $0xFFFF  }
0x122: {  	p0 =	sne.s32 s0, $0x0;
	s0 =	rddreg [dreg:$0x2]  }
0x123: {  	s0 =	sadd.s32 @!p0 $0x100000, s0  }
0x124: {  	[sflag:s0] =	ssyncadd.tile.s32 @!p0 $0x1;
	_ =	shalt  }
.Lfunc_end2:
_tile_overlayer_lowered:
.L_overlay_start_2:
0x125: {  	(tag) =	ssettag $0x2  }
0x126: {  	s0 =	rddreg [dreg:$0x0];
	s2 =	stileid.u32  }
0x127: {  	s1 =	rddreg [dreg:$0x1];
	p0 =	sne.s32 s2, $0x0  }
0x128: {  	s3 =	rddreg [dreg:$0x2];
	[bflag:$0x3] =	sbarrier.arrive $0xFFFF;
	s2 =	simm.s32 @!p0 $0x1C01  }
0x129: {  	[timem:s3], [sflag:s2] =	dma.local @!p0 [hbm:s0], s1  }
0x12a: {  	s0 =	simm.s32 @!p0 $0x1  }
0x12b: {  	_ =	swait.ge @!p0 [sflag:s0], s1  }
0x12c: {  	s1 =	ssub.s32 @!p0 $0x0, s1;
	[sflag:s0] =	ssyncset.done @!p0 $0x0  }
0x12d: {  	[sflag:s0] =	ssyncadd.s32 @!p0 s1  }
0x12e: {  	[bflag:$0x3] =	sbarrier.arrive $0xFFFF  }
0x12f: {  	_ =	shalt  }

</sc_bundles>
